<compile_context>
chip_gen: v7x
topology: tpu7x:2x2x1
jax: 0.10.2.dev20260603
libtpu: 0.0.44.dev20260713+nightly
codegen_flags: <defaults>
</compile_context>

<pallas_src>
import functools

import jax
import jax.numpy as jnp
from jax import lax
from jax.experimental import pallas as pl
from jax.experimental.pallas import tpu as pltpu
from jax.experimental.pallas import tpu_sc as plsc

DEPTH = 3
DIM = 128
MDIM = 16
K = 30
H = 2 * (2 * DIM + 1)
NH = 2 * DIM
B, N = 2, 2048
KP = 32
RB = 256
S = 128
E = B * N * K

_NC, _NS = 2, 16
_NW = _NC * _NS
_RPW = E // _NW
_CHUNK = 128
_NCHUNK = _RPW // _CHUNK


def _silu(x):
    u = 0.5 * x
    return u + u * jnp.tanh(u)



def _knn_body(xf_ref, xbt_ref, idx_ref, dk_ref, key_scr):
    b = pl.program_id(0)
    xf = xf_ref[0]
    xbt = xbt_ref[0]
    d0 = xf[:, 0:1] - xbt[0:1, :]
    acc = d0 * d0
    d1 = xf[:, 1:2] - xbt[1:2, :]
    acc = acc + d1 * d1
    d2 = xf[:, 2:3] - xbt[2:3, :]
    acc = acc + d2 * d2
    bits = lax.bitcast_convert_type(acc, jnp.int32)
    iota = lax.broadcasted_iota(jnp.int32, (N, RB), 0)
    key_scr[...] = (bits & jnp.int32(-2048)) | iota

    def step(k, _):
        kv = key_scr[...]
        m = jnp.min(kv, axis=0, keepdims=True)
        idx_ref[0, pl.ds(k, 1), :] = (m & jnp.int32(2047)) + b * N
        dk_ref[0, pl.ds(k, 1), :] = lax.bitcast_convert_type(
            (m & jnp.int32(-2048)) | jnp.int32(1024), jnp.float32)
        key_scr[...] = jnp.where(kv == m, jnp.int32(2147483647), kv)
        return 0

    lax.fori_loop(0, K, step, 0)


_knn_call = pl.pallas_call(
    _knn_body,
    grid=(B, N // RB),
    in_specs=[
        pl.BlockSpec((1, N, 3), lambda b, i: (b, 0, 0)),
        pl.BlockSpec((1, 3, RB), lambda b, i: (b, 0, i)),
    ],
    out_specs=[
        pl.BlockSpec((1, KP, RB), lambda b, i: (b, 0, i)),
        pl.BlockSpec((1, KP, RB), lambda b, i: (b, 0, i)),
    ],
    out_shape=[
        jax.ShapeDtypeStruct((B, KP, N), jnp.int32),
        jax.ShapeDtypeStruct((B, KP, N), jnp.float32),
    ],
    scratch_shapes=[pltpu.VMEM((N, RB), jnp.int32)],
)



def _gather_body(table_hbm, idx_hbm, out_hbm, idx_v, buf_a, buf_b, buf_c,
                 sem_a, sem_b, sem_c):
    wid = lax.axis_index("s") * _NC + lax.axis_index("c")
    base = wid * _RPW
    pltpu.sync_copy(idx_hbm.at[pl.ds(base, _RPW)], idx_v)

    def start(i, buf, sem):
        return pltpu.async_copy(
            table_hbm.at[idx_v.at[pl.ds(i * _CHUNK, _CHUNK)]], buf, sem)

    def wait(i, buf, sem):
        pltpu.make_async_copy(
            table_hbm.at[idx_v.at[pl.ds(i * _CHUNK, _CHUNK)]], buf, sem
        ).wait()
        pltpu.sync_copy(buf, out_hbm.at[pl.ds(base + i * _CHUNK, _CHUNK)])

    start(0, buf_a, sem_a)
    start(1, buf_b, sem_b)

    def body(t, _):
        i = 3 * t
        start(i + 2, buf_c, sem_c)
        wait(i, buf_a, sem_a)

        @pl.when(i + 3 < _NCHUNK)
        def _():
            start(i + 3, buf_a, sem_a)

        wait(i + 1, buf_b, sem_b)

        @pl.when(i + 4 < _NCHUNK)
        def _():
            start(i + 4, buf_b, sem_b)

        wait(i + 2, buf_c, sem_c)
        return 0

    lax.fori_loop(0, _NCHUNK // 3, body, 0)


@functools.cache
def _make_gather_call():
    return pl.kernel(
        _gather_body,
        out_type=jax.ShapeDtypeStruct((E, DIM), jnp.float32),
        mesh=plsc.VectorSubcoreMesh(
            core_axis_name="c", subcore_axis_name="s",
            num_cores=_NC, num_subcores=_NS,
        ),
        scratch_types=[
            pltpu.VMEM((_RPW,), jnp.int32),
            pltpu.VMEM((_CHUNK, DIM), jnp.float32),
            pltpu.VMEM((_CHUNK, DIM), jnp.float32),
            pltpu.VMEM((_CHUNK, DIM), jnp.float32),
            pltpu.SemaphoreType.DMA,
            pltpu.SemaphoreType.DMA,
            pltpu.SemaphoreType.DMA,
        ],
    )



def _layer_body(f_ref, g_ref, d_ref,
                w1a_ref, w1b_ref, w1c_ref, b1_ref, w2_ref, b2_ref,
                gw_ref, gb_ref, lng_ref, lnb_ref,
                nw1a_ref, nw1b_ref, nb1_ref, nw2_ref, nb2_ref,
                out_ref):
    f = f_ref[...]
    g = g_ref[0].astype(jnp.bfloat16)
    d3 = d_ref[0]

    a = jnp.dot(f.astype(jnp.bfloat16), w1a_ref[...],
                preferred_element_type=jnp.float32)
    a = a + b1_ref[...]
    gm = jnp.dot(g.reshape(K * S, DIM), w1b_ref[...],
                 preferred_element_type=jnp.float32)
    pre = gm.reshape(K, S, H) + a[None] + d3 * w1c_ref[...][None]
    h = _silu(pre).reshape(K * S, H)

    m = jnp.dot(h, w2_ref[...], preferred_element_type=jnp.float32)
    m = _silu(m + b2_ref[...])
    gl = jnp.dot(m, gw_ref[...], preferred_element_type=jnp.float32)
    gl = gl + gb_ref[...]
    m = m * (0.5 + 0.5 * jnp.tanh(0.5 * gl))
    mi = jnp.sum(m.reshape(K, S, MDIM), axis=0)

    mu = jnp.mean(f, axis=-1, keepdims=True)
    var = jnp.mean((f - mu) ** 2, axis=-1, keepdims=True)
    ln = (f - mu) / jnp.sqrt(var + 1e-5) * lng_ref[...] + lnb_ref[...]

    h2 = jnp.dot(ln, nw1a_ref[...], preferred_element_type=jnp.float32)
    h2 = h2 + jnp.dot(mi, nw1b_ref[...], preferred_element_type=jnp.float32)
    h2 = _silu(h2 + nb1_ref[...])
    out = jnp.dot(h2, nw2_ref[...], preferred_element_type=jnp.float32)
    out = out + nb2_ref[...] + f
    out_ref[...] = out


def _full(shape):
    return pl.BlockSpec(shape, lambda b, i: tuple(0 for _ in shape))


_layer_call = pl.pallas_call(
    _layer_body,
    grid=(B, N // S),
    in_specs=[
        pl.BlockSpec((S, DIM), lambda b, i: (b * (N // S) + i, 0)),
        pl.BlockSpec((1, K, S, DIM), lambda b, i: (b * (N // S) + i, 0, 0, 0)),
        pl.BlockSpec((1, K, S, 1), lambda b, i: (b * (N // S) + i, 0, 0, 0)),
        _full((DIM, H)), _full((DIM, H)), _full((1, H)), _full((1, H)),
        _full((H, MDIM)), _full((1, MDIM)),
        _full((MDIM, 1)), _full((1, 1)),
        _full((1, DIM)), _full((1, DIM)),
        _full((DIM, NH)), _full((MDIM, NH)), _full((1, NH)),
        _full((NH, DIM)), _full((1, DIM)),
    ],
    out_specs=pl.BlockSpec((S, DIM), lambda b, i: (b * (N // S) + i, 0)),
    out_shape=jax.ShapeDtypeStruct((B * N, DIM), jnp.float32),
    compiler_params=pltpu.CompilerParams(
        dimension_semantics=("parallel", "parallel")),
)



def kernel(feats, coords, edge_W1, edge_b1, edge_W2, edge_b2, gate_W, gate_b,
           ln_g, ln_b, node_W1, node_b1, node_W2, node_b2):
    bf = jnp.bfloat16
    coords_t = coords.transpose(0, 2, 1)
    idx_t, dk_t = _knn_call(coords, coords_t)
    nblk = N // S
    idx_flat = (idx_t[:, :K, :].reshape(B, K, nblk, S)
                .transpose(0, 2, 1, 3).reshape(E))
    dk4 = (dk_t[:, :K, :].reshape(B, K, nblk, S)
           .transpose(0, 2, 1, 3).reshape(B * nblk, K, S, 1))

    f2 = feats.reshape(B * N, DIM)
    gather_call = _make_gather_call()
    for l in range(DEPTH):
        g = gather_call(f2, idx_flat)
        f2 = _layer_call(
            f2, g.reshape(B * nblk, K, S, DIM), dk4,
            edge_W1[l, :DIM].astype(bf), edge_W1[l, DIM:2 * DIM].astype(bf),
            edge_W1[l, 2 * DIM:2 * DIM + 1], edge_b1[l][None],
            edge_W2[l], edge_b2[l][None],
            gate_W[l], gate_b[l][None],
            ln_g[l][None], ln_b[l][None],
            node_W1[l, :DIM], node_W1[l, DIM:], node_b1[l][None],
            node_W2[l], node_b2[l][None],
        )
    return f2.reshape(B, N, DIM)

# --- scband reference (transcript-rebuilt; emitter-appended) ---
"""Pipeline reference for scband-molecule-model-63668595195938 (READ-ONLY COPY).

The authoritative reference and input builder live on the scoring server;
editing this copy changes nothing except your own understanding.
"""

import jax, jax.numpy as jnp
import numpy as np

DEPTH = 3
DIM = 128
MDIM = 16
K = 30
EDGE_IN = 2 * DIM + 1
EDGE_HID = EDGE_IN * 2
NODE_IN = DIM + MDIM
NODE_HID = DIM * 2
B, N = 2, 2048


def setup_inputs(seed: int = 0) -> dict:
    key = jax.random.key(seed)
    ks = jax.random.split(key, 10)
    return {
        "feats": jax.random.normal(ks[0], (B, N, DIM), dtype=jnp.float32),
        "coords": jax.random.normal(ks[1], (B, N, 3), dtype=jnp.float32) * 3.0,
        "edge_W1": jax.random.normal(ks[2], (DEPTH, EDGE_IN, EDGE_HID), dtype=jnp.float32) * 0.02,
        "edge_b1": jnp.zeros((DEPTH, EDGE_HID), dtype=jnp.float32),
        "edge_W2": jax.random.normal(ks[3], (DEPTH, EDGE_HID, MDIM), dtype=jnp.float32) * 0.02,
        "edge_b2": jnp.zeros((DEPTH, MDIM), dtype=jnp.float32),
        "gate_W": jax.random.normal(ks[4], (DEPTH, MDIM, 1), dtype=jnp.float32) * 0.02,
        "gate_b": jnp.zeros((DEPTH, 1), dtype=jnp.float32),
        "ln_g": jnp.ones((DEPTH, DIM), dtype=jnp.float32),
        "ln_b": jnp.zeros((DEPTH, DIM), dtype=jnp.float32),
        "node_W1": jax.random.normal(ks[5], (DEPTH, NODE_IN, NODE_HID), dtype=jnp.float32) * 0.02,
        "node_b1": jnp.zeros((DEPTH, NODE_HID), dtype=jnp.float32),
        "node_W2": jax.random.normal(ks[6], (DEPTH, NODE_HID, DIM), dtype=jnp.float32) * 0.02,
        "node_b2": jnp.zeros((DEPTH, DIM), dtype=jnp.float32),
    }


def _layer_norm(x, g, b):
    mu = jnp.mean(x, axis=-1, keepdims=True)
    var = jnp.mean((x - mu) ** 2, axis=-1, keepdims=True)
    return (x - mu) / jnp.sqrt(var + 1e-5) * g + b


def _egnn_layer(feats, coors, p):
    b, n, d = feats.shape
    # pairwise relative coordinates and squared distances
    rel = coors[:, :, None, :] - coors[:, None, :, :]          # [B, N, N, 3]
    dist = jnp.sum(rel * rel, axis=-1)                          # [B, N, N]
    # k nearest neighbors (self included, dist 0)
    _, idx = jax.lax.top_k(-dist, K)                            # [B, N, K]
    dist_k = jnp.take_along_axis(dist, idx, axis=-1)[..., None]  # [B, N, K, 1]
    feats_j = jnp.take_along_axis(feats[:, None, :, :], idx[..., None], axis=2)  # [B, N, K, D]
    feats_i = jnp.broadcast_to(feats[:, :, None, :], (b, n, K, d))
    edge_input = jnp.concatenate([feats_i, feats_j, dist_k], axis=-1)  # [B, N, K, 2D+1]
    # edge MLP: Linear -> SiLU -> Linear -> SiLU
    h = jax.nn.silu(edge_input @ p["eW1"] + p["eb1"])
    m_ij = jax.nn.silu(h @ p["eW2"] + p["eb2"])                # [B, N, K, m_dim]
    # soft edges gate
    gate = jax.nn.sigmoid(m_ij @ p["gW"] + p["gb"])
    m_ij = m_ij * gate
    # sum pool over neighbors
    m_i = jnp.sum(m_ij, axis=2)                                 # [B, N, m_dim]
    # node MLP with LayerNorm on feats (norm_feats=True) and residual
    node_in = jnp.concatenate([_layer_norm(feats, p["lg"], p["lb"]), m_i], axis=-1)
    h2 = jax.nn.silu(node_in @ p["nW1"] + p["nb1"])
    node_out = h2 @ p["nW2"] + p["nb2"]
    feats = node_out + feats
    return feats, coors  # update_coors=False


def reference(feats, coords, edge_W1, edge_b1, edge_W2, edge_b2, gate_W, gate_b,
              ln_g, ln_b, node_W1, node_b1, node_W2, node_b2):
    f, c = feats, coords
    for l in range(DEPTH):
        p = {
            "eW1": edge_W1[l], "eb1": edge_b1[l],
            "eW2": edge_W2[l], "eb2": edge_b2[l],
            "gW": gate_W[l], "gb": gate_b[l],
            "lg": ln_g[l], "lb": ln_b[l],
            "nW1": node_W1[l], "nb1": node_b1[l],
            "nW2": node_W2[l], "nb2": node_b2[l],
        }
        f, c = _egnn_layer(f, c, p)
    return f

if __name__ == "__main__":
    import jax
    _d = setup_inputs()
    print(jax.jit(kernel)(*tuple(_d.values())))

</pallas_src>

<mosaic_0001>
#map = affine_map<(d0, d1) -> (0, 0)>
#map1 = affine_map<(d0, d1) -> (0)>
module attributes {stable_mosaic.version = 14 : i64} {
  func.func @_gather_body(%arg0: i32, %arg1: i32, %arg2: memref<4096x128xf32, #tpu.memory_space<hbm>>, %arg3: memref<122880xi32, #tpu.memory_space<hbm>>, %arg4: memref<122880x128xf32, #tpu.memory_space<hbm>>, %arg5: memref<3840xi32, #tpu.memory_space<vmem>>, %arg6: memref<128x128xf32, #tpu.memory_space<vmem>>, %arg7: memref<128x128xf32, #tpu.memory_space<vmem>>, %arg8: memref<128x128xf32, #tpu.memory_space<vmem>>, %arg9: memref<!tpu.dma_semaphore, #tpu.memory_space<semaphore_mem>>, %arg10: memref<!tpu.dma_semaphore, #tpu.memory_space<semaphore_mem>>, %arg11: memref<!tpu.dma_semaphore, #tpu.memory_space<semaphore_mem>>) attributes {dimension_semantics = [#tpu.dimension_semantics<core_parallel>, #tpu.dimension_semantics<subcore_parallel>], iteration_bounds = array<i64: 2, 16>, scalar_prefetch = 0 : i64, scratch_operands = 7 : i64, tpu.core_type = #tpu.core_type<sc_vector_subcore>, window_params = [{transform_indices = #map}, {transform_indices = #map1}, {transform_indices = #map}]} {
    %mul3A = arith.constant 2 : i32
    %mul3A_0 = arith.muli %arg1, %mul3A : i32
    %add3A = arith.addi %mul3A_0, %arg0 : i32
    %mul3A_1 = arith.constant 3840 : i32
    %mul3A_2 = arith.muli %add3A, %mul3A_1 : i32
    "tpu.region"() ({
      %run_scoped3A = tpu.sem_alloc : memref<!tpu.dma_semaphore, #tpu.memory_space<semaphore_mem>>
      %dma_start3A_18 = tpu.memref_slice %arg3[%mul3A_2] : memref<122880xi32, #tpu.memory_space<hbm>> -> memref<3840xi32, #tpu.memory_space<hbm>>
      %dma_start3A_19 = tpu.memref_slice %arg3[%mul3A_2] : memref<122880xi32, #tpu.memory_space<hbm>> -> memref<3840xi32, #tpu.memory_space<hbm>>
      tpu.enqueue_dma source(%dma_start3A_19 : memref<3840xi32, #tpu.memory_space<hbm>>) target(%arg5 : memref<3840xi32, #tpu.memory_space<vmem>>) target_semaphore(%run_scoped3A : memref<!tpu.dma_semaphore, #tpu.memory_space<semaphore_mem>>)
      %dma_wait3A = tpu.memref_slice %arg3[%mul3A_2] : memref<122880xi32, #tpu.memory_space<hbm>> -> memref<3840xi32, #tpu.memory_space<hbm>>
      %dma_wait3A_20 = tpu.memref_slice %arg3[%mul3A_2] : memref<122880xi32, #tpu.memory_space<hbm>> -> memref<3840xi32, #tpu.memory_space<hbm>>
      tpu.wait_dma2 semaphore(%run_scoped3A : memref<!tpu.dma_semaphore, #tpu.memory_space<semaphore_mem>>) src(%dma_wait3A_20 : memref<3840xi32, #tpu.memory_space<hbm>>) dst(%arg5 : memref<3840xi32, #tpu.memory_space<vmem>>)
      tpu.yield
    }) : () -> ()
    %dma_start3A = arith.constant 0 : i32
    %dma_start3A_3 = tpu.memref_slice %arg5[%dma_start3A] : memref<3840xi32, #tpu.memory_space<vmem>> -> memref<128xi32, #tpu.memory_space<vmem>>
    %dma_start3A_4 = arith.constant 0 : i32
    %dma_start3A_5 = arith.constant 0 : i32
    %dma_start3A_6 = tpu.memref_slice %arg2[%dma_start3A_4, %dma_start3A_5] : memref<4096x128xf32, #tpu.memory_space<hbm>> -> memref<4096x128xf32, #tpu.memory_space<hbm>>
    tpu.enqueue_indirect_dma source(%dma_start3A_6 : memref<4096x128xf32, #tpu.memory_space<hbm>>) target(%arg6 : memref<128x128xf32, #tpu.memory_space<vmem>>) offsets(%dma_start3A_3 : memref<128xi32, #tpu.memory_space<vmem>>) semaphore(%arg9 : memref<!tpu.dma_semaphore, #tpu.memory_space<semaphore_mem>>)
    %dma_start3A_7 = arith.constant 128 : i32
    %dma_start3A_8 = tpu.memref_slice %arg5[%dma_start3A_7] : memref<3840xi32, #tpu.memory_space<vmem>> -> memref<128xi32, #tpu.memory_space<vmem>>
    %dma_start3A_9 = arith.constant 0 : i32
    %dma_start3A_10 = arith.constant 0 : i32
    %dma_start3A_11 = tpu.memref_slice %arg2[%dma_start3A_9, %dma_start3A_10] : memref<4096x128xf32, #tpu.memory_space<hbm>> -> memref<4096x128xf32, #tpu.memory_space<hbm>>
    tpu.enqueue_indirect_dma source(%dma_start3A_11 : memref<4096x128xf32, #tpu.memory_space<hbm>>) target(%arg7 : memref<128x128xf32, #tpu.memory_space<vmem>>) offsets(%dma_start3A_8 : memref<128xi32, #tpu.memory_space<vmem>>) semaphore(%arg10 : memref<!tpu.dma_semaphore, #tpu.memory_space<semaphore_mem>>)
    %scan3A = arith.constant 0 : i32
    %scan3A_12 = arith.constant 0 : i32
    %scan3A_13 = arith.constant 10 : i32
    %scan3A_14 = arith.addi %scan3A_12, %scan3A_13 : i32
    %scan3A_15 = arith.constant 1 : i32
    %scan3A_16 = scf.for %scan3A_18 = %scan3A_12 to %scan3A_14 step %scan3A_15 iter_args(%scan3A_19 = %scan3A) -> (i32)  : i32 {
      %mul3A_20 = arith.constant 3 : i32
      %mul3A_21 = arith.muli %mul3A_20, %scan3A_18 : i32
      %add3A_22 = arith.constant 2 : i32
      %add3A_23 = arith.addi %mul3A_21, %add3A_22 : i32
      %mul3A_24 = arith.constant 128 : i32
      %mul3A_25 = arith.muli %add3A_23, %mul3A_24 : i32
      %dma_start3A_26 = tpu.memref_slice %arg5[%mul3A_25] : memref<3840xi32, #tpu.memory_space<vmem>> -> memref<128xi32, #tpu.memory_space<vmem>>
      %dma_start3A_27 = arith.constant 0 : i32
      %dma_start3A_28 = arith.constant 0 : i32
      %dma_start3A_29 = tpu.memref_slice %arg2[%dma_start3A_27, %dma_start3A_28] : memref<4096x128xf32, #tpu.memory_space<hbm>> -> memref<4096x128xf32, #tpu.memory_space<hbm>>
      tpu.enqueue_indirect_dma source(%dma_start3A_29 : memref<4096x128xf32, #tpu.memory_space<hbm>>) target(%arg8 : memref<128x128xf32, #tpu.memory_space<vmem>>) offsets(%dma_start3A_26 : memref<128xi32, #tpu.memory_space<vmem>>) semaphore(%arg11 : memref<!tpu.dma_semaphore, #tpu.memory_space<semaphore_mem>>)
      %mul3A_30 = arith.constant 128 : i32
      %mul3A_31 = arith.muli %mul3A_21, %mul3A_30 : i32
      %dma_wait3A = tpu.memref_slice %arg5[%mul3A_31] : memref<3840xi32, #tpu.memory_space<vmem>> -> memref<128xi32, #tpu.memory_space<vmem>>
      %dma_wait3A_32 = arith.constant 0 : i32
      %dma_wait3A_33 = arith.constant 0 : i32
      %dma_wait3A_34 = tpu.memref_slice %arg2[%dma_wait3A_32, %dma_wait3A_33] : memref<4096x128xf32, #tpu.memory_space<hbm>> -> memref<4096x128xf32, #tpu.memory_space<hbm>>
      tpu.wait_indirect_dma semaphore(%arg9 : memref<!tpu.dma_semaphore, #tpu.memory_space<semaphore_mem>>) src(%dma_wait3A_34 : memref<4096x128xf32, #tpu.memory_space<hbm>>) dst(%arg6 : memref<128x128xf32, #tpu.memory_space<vmem>>)
      %mul3A_35 = arith.constant 128 : i32
      %mul3A_36 = arith.muli %mul3A_21, %mul3A_35 : i32
      %add3A_37 = arith.addi %mul3A_2, %mul3A_36 : i32
      "tpu.region"() ({
        %run_scoped3A = tpu.sem_alloc : memref<!tpu.dma_semaphore, #tpu.memory_space<semaphore_mem>>
        %dma_start3A_72 = arith.constant 0 : i32
        %dma_start3A_73 = tpu.memref_slice %arg4[%add3A_37, %dma_start3A_72] : memref<122880x128xf32, #tpu.memory_space<hbm>> -> memref<128x128xf32, #tpu.memory_space<hbm>>
        %dma_start3A_74 = arith.constant 0 : i32
        %dma_start3A_75 = tpu.memref_slice %arg4[%add3A_37, %dma_start3A_74] : memref<122880x128xf32, #tpu.memory_space<hbm>> -> memref<128x128xf32, #tpu.memory_space<hbm>>
        tpu.enqueue_dma source(%arg6 : memref<128x128xf32, #tpu.memory_space<vmem>>) target(%dma_start3A_75 : memref<128x128xf32, #tpu.memory_space<hbm>>) target_semaphore(%run_scoped3A : memref<!tpu.dma_semaphore, #tpu.memory_space<semaphore_mem>>)
        %dma_wait3A_76 = arith.constant 0 : i32
        %dma_wait3A_77 = tpu.memref_slice %arg4[%add3A_37, %dma_wait3A_76] : memref<122880x128xf32, #tpu.memory_space<hbm>> -> memref<128x128xf32, #tpu.memory_space<hbm>>
        %dma_wait3A_78 = arith.constant 0 : i32
        %dma_wait3A_79 = tpu.memref_slice %arg4[%add3A_37, %dma_wait3A_78] : memref<122880x128xf32, #tpu.memory_space<hbm>> -> memref<128x128xf32, #tpu.memory_space<hbm>>
        tpu.wait_dma2 semaphore(%run_scoped3A : memref<!tpu.dma_semaphore, #tpu.memory_space<semaphore_mem>>) src(%arg6 : memref<128x128xf32, #tpu.memory_space<vmem>>) dst(%dma_wait3A_79 : memref<128x128xf32, #tpu.memory_space<hbm>>)
        tpu.yield
      }) : () -> ()
      %add3A_38 = arith.constant 3 : i32
      %add3A_39 = arith.addi %mul3A_21, %add3A_38 : i32
      %lt3A = arith.constant 30 : i32
      %lt3A_40 = arith.cmpi slt, %add3A_39, %lt3A : i32
      %convert_element_type3A = arith.extui %lt3A_40 : i1 to i32
      %cond3A = arith.constant 0 : i32
      %cond3A_41 = arith.cmpi ne, %convert_element_type3A, %cond3A : i32
      scf.if %cond3A_41 {
        %add3A_72 = arith.constant 3 : i32
        %add3A_73 = arith.addi %mul3A_21, %add3A_72 : i32
        %mul3A_74 = arith.constant 128 : i32
        %mul3A_75 = arith.muli %add3A_73, %mul3A_74 : i32
        %dma_start3A_76 = tpu.memref_slice %arg5[%mul3A_75] : memref<3840xi32, #tpu.memory_space<vmem>> -> memref<128xi32, #tpu.memory_space<vmem>>
        %dma_start3A_77 = arith.constant 0 : i32
        %dma_start3A_78 = arith.constant 0 : i32
        %dma_start3A_79 = tpu.memref_slice %arg2[%dma_start3A_77, %dma_start3A_78] : memref<4096x128xf32, #tpu.memory_space<hbm>> -> memref<4096x128xf32, #tpu.memory_space<hbm>>
        tpu.enqueue_indirect_dma source(%dma_start3A_79 : memref<4096x128xf32, #tpu.memory_space<hbm>>) target(%arg6 : memref<128x128xf32, #tpu.memory_space<vmem>>) offsets(%dma_start3A_76 : memref<128xi32, #tpu.memory_space<vmem>>) semaphore(%arg9 : memref<!tpu.dma_semaphore, #tpu.memory_space<semaphore_mem>>)
      } else {
      }
      %add3A_42 = arith.constant 1 : i32
      %add3A_43 = arith.addi %mul3A_21, %add3A_42 : i32
      %mul3A_44 = arith.constant 128 : i32
      %mul3A_45 = arith.muli %add3A_43, %mul3A_44 : i32
      %dma_wait3A_46 = tpu.memref_slice %arg5[%mul3A_45] : memref<3840xi32, #tpu.memory_space<vmem>> -> memref<128xi32, #tpu.memory_space<vmem>>
      %dma_wait3A_47 = arith.constant 0 : i32
      %dma_wait3A_48 = arith.constant 0 : i32
      %dma_wait3A_49 = tpu.memref_slice %arg2[%dma_wait3A_47, %dma_wait3A_48] : memref<4096x128xf32, #tpu.memory_space<hbm>> -> memref<4096x128xf32, #tpu.memory_space<hbm>>
      tpu.wait_indirect_dma semaphore(%arg10 : memref<!tpu.dma_semaphore, #tpu.memory_space<semaphore_mem>>) src(%dma_wait3A_49 : memref<4096x128xf32, #tpu.memory_space<hbm>>) dst(%arg7 : memref<128x128xf32, #tpu.memory_space<vmem>>)
      %mul3A_50 = arith.constant 128 : i32
      %mul3A_51 = arith.muli %add3A_43, %mul3A_50 : i32
      %add3A_52 = arith.addi %mul3A_2, %mul3A_51 : i32
      "tpu.region"() ({
        %run_scoped3A = tpu.sem_alloc : memref<!tpu.dma_semaphore, #tpu.memory_space<semaphore_mem>>
        %dma_start3A_72 = arith.constant 0 : i32
        %dma_start3A_73 = tpu.memref_slice %arg4[%add3A_52, %dma_start3A_72] : memref<122880x128xf32, #tpu.memory_space<hbm>> -> memref<128x128xf32, #tpu.memory_space<hbm>>
        %dma_start3A_74 = arith.constant 0 : i32
        %dma_start3A_75 = tpu.memref_slice %arg4[%add3A_52, %dma_start3A_74] : memref<122880x128xf32, #tpu.memory_space<hbm>> -> memref<128x128xf32, #tpu.memory_space<hbm>>
        tpu.enqueue_dma source(%arg7 : memref<128x128xf32, #tpu.memory_space<vmem>>) target(%dma_start3A_75 : memref<128x128xf32, #tpu.memory_space<hbm>>) target_semaphore(%run_scoped3A : memref<!tpu.dma_semaphore, #tpu.memory_space<semaphore_mem>>)
        %dma_wait3A_76 = arith.constant 0 : i32
        %dma_wait3A_77 = tpu.memref_slice %arg4[%add3A_52, %dma_wait3A_76] : memref<122880x128xf32, #tpu.memory_space<hbm>> -> memref<128x128xf32, #tpu.memory_space<hbm>>
        %dma_wait3A_78 = arith.constant 0 : i32
        %dma_wait3A_79 = tpu.memref_slice %arg4[%add3A_52, %dma_wait3A_78] : memref<122880x128xf32, #tpu.memory_space<hbm>> -> memref<128x128xf32, #tpu.memory_space<hbm>>
        tpu.wait_dma2 semaphore(%run_scoped3A : memref<!tpu.dma_semaphore, #tpu.memory_space<semaphore_mem>>) src(%arg7 : memref<128x128xf32, #tpu.memory_space<vmem>>) dst(%dma_wait3A_79 : memref<128x128xf32, #tpu.memory_space<hbm>>)
        tpu.yield
      }) : () -> ()
      %add3A_53 = arith.constant 4 : i32
      %add3A_54 = arith.addi %mul3A_21, %add3A_53 : i32
      %lt3A_55 = arith.constant 30 : i32
      %lt3A_56 = arith.cmpi slt, %add3A_54, %lt3A_55 : i32
      %convert_element_type3A_57 = arith.extui %lt3A_56 : i1 to i32
      %cond3A_58 = arith.constant 0 : i32
      %cond3A_59 = arith.cmpi ne, %convert_element_type3A_57, %cond3A_58 : i32
      scf.if %cond3A_59 {
        %add3A_72 = arith.constant 4 : i32
        %add3A_73 = arith.addi %mul3A_21, %add3A_72 : i32
        %mul3A_74 = arith.constant 128 : i32
        %mul3A_75 = arith.muli %add3A_73, %mul3A_74 : i32
        %dma_start3A_76 = tpu.memref_slice %arg5[%mul3A_75] : memref<3840xi32, #tpu.memory_space<vmem>> -> memref<128xi32, #tpu.memory_space<vmem>>
        %dma_start3A_77 = arith.constant 0 : i32
        %dma_start3A_78 = arith.constant 0 : i32
        %dma_start3A_79 = tpu.memref_slice %arg2[%dma_start3A_77, %dma_start3A_78] : memref<4096x128xf32, #tpu.memory_space<hbm>> -> memref<4096x128xf32, #tpu.memory_space<hbm>>
        tpu.enqueue_indirect_dma source(%dma_start3A_79 : memref<4096x128xf32, #tpu.memory_space<hbm>>) target(%arg7 : memref<128x128xf32, #tpu.memory_space<vmem>>) offsets(%dma_start3A_76 : memref<128xi32, #tpu.memory_space<vmem>>) semaphore(%arg10 : memref<!tpu.dma_semaphore, #tpu.memory_space<semaphore_mem>>)
      } else {
      }
      %add3A_60 = arith.constant 2 : i32
      %add3A_61 = arith.addi %mul3A_21, %add3A_60 : i32
      %mul3A_62 = arith.constant 128 : i32
      %mul3A_63 = arith.muli %add3A_61, %mul3A_62 : i32
      %dma_wait3A_64 = tpu.memref_slice %arg5[%mul3A_63] : memref<3840xi32, #tpu.memory_space<vmem>> -> memref<128xi32, #tpu.memory_space<vmem>>
      %dma_wait3A_65 = arith.constant 0 : i32
      %dma_wait3A_66 = arith.constant 0 : i32
      %dma_wait3A_67 = tpu.memref_slice %arg2[%dma_wait3A_65, %dma_wait3A_66] : memref<4096x128xf32, #tpu.memory_space<hbm>> -> memref<4096x128xf32, #tpu.memory_space<hbm>>
      tpu.wait_indirect_dma semaphore(%arg11 : memref<!tpu.dma_semaphore, #tpu.memory_space<semaphore_mem>>) src(%dma_wait3A_67 : memref<4096x128xf32, #tpu.memory_space<hbm>>) dst(%arg8 : memref<128x128xf32, #tpu.memory_space<vmem>>)
      %mul3A_68 = arith.constant 128 : i32
      %mul3A_69 = arith.muli %add3A_61, %mul3A_68 : i32
      %add3A_70 = arith.addi %mul3A_2, %mul3A_69 : i32
      "tpu.region"() ({
        %run_scoped3A = tpu.sem_alloc : memref<!tpu.dma_semaphore, #tpu.memory_space<semaphore_mem>>
        %dma_start3A_72 = arith.constant 0 : i32
        %dma_start3A_73 = tpu.memref_slice %arg4[%add3A_70, %dma_start3A_72] : memref<122880x128xf32, #tpu.memory_space<hbm>> -> memref<128x128xf32, #tpu.memory_space<hbm>>
        %dma_start3A_74 = arith.constant 0 : i32
        %dma_start3A_75 = tpu.memref_slice %arg4[%add3A_70, %dma_start3A_74] : memref<122880x128xf32, #tpu.memory_space<hbm>> -> memref<128x128xf32, #tpu.memory_space<hbm>>
        tpu.enqueue_dma source(%arg8 : memref<128x128xf32, #tpu.memory_space<vmem>>) target(%dma_start3A_75 : memref<128x128xf32, #tpu.memory_space<hbm>>) target_semaphore(%run_scoped3A : memref<!tpu.dma_semaphore, #tpu.memory_space<semaphore_mem>>)
        %dma_wait3A_76 = arith.constant 0 : i32
        %dma_wait3A_77 = tpu.memref_slice %arg4[%add3A_70, %dma_wait3A_76] : memref<122880x128xf32, #tpu.memory_space<hbm>> -> memref<128x128xf32, #tpu.memory_space<hbm>>
        %dma_wait3A_78 = arith.constant 0 : i32
        %dma_wait3A_79 = tpu.memref_slice %arg4[%add3A_70, %dma_wait3A_78] : memref<122880x128xf32, #tpu.memory_space<hbm>> -> memref<128x128xf32, #tpu.memory_space<hbm>>
        tpu.wait_dma2 semaphore(%run_scoped3A : memref<!tpu.dma_semaphore, #tpu.memory_space<semaphore_mem>>) src(%arg8 : memref<128x128xf32, #tpu.memory_space<vmem>>) dst(%dma_wait3A_79 : memref<128x128xf32, #tpu.memory_space<hbm>>)
        tpu.yield
      }) : () -> ()
      %scan3A_71 = arith.constant 0 : i32
      scf.yield %scan3A_71 : i32
    }
    %scan3A_17 = arith.constant 10 : i32
    return
  }
}

#map = affine_map<(d0, d1) -> (0, 0)>
#map1 = affine_map<(d0, d1) -> (0)>
module attributes {stable_mosaic.version = 14 : i64} {
  func.func @_gather_body(%arg0: i32, %arg1: i32, %arg2: memref<4096x128xf32, #tpu.memory_space<hbm>>, %arg3: memref<122880xi32, #tpu.memory_space<hbm>>, %arg4: memref<122880x128xf32, #tpu.memory_space<hbm>>, %arg5: memref<3840xi32, #tpu.memory_space<vmem>>, %arg6: memref<128x128xf32, #tpu.memory_space<vmem>>, %arg7: memref<128x128xf32, #tpu.memory_space<vmem>>, %arg8: memref<128x128xf32, #tpu.memory_space<vmem>>, %arg9: memref<!tpu.dma_semaphore, #tpu.memory_space<semaphore_mem>>, %arg10: memref<!tpu.dma_semaphore, #tpu.memory_space<semaphore_mem>>, %arg11: memref<!tpu.dma_semaphore, #tpu.memory_space<semaphore_mem>>) attributes {dimension_semantics = [#tpu.dimension_semantics<core_parallel>, #tpu.dimension_semantics<subcore_parallel>], iteration_bounds = array<i64: 2, 16>, scalar_prefetch = 0 : i64, scratch_operands = 7 : i64, tpu.core_type = #tpu.core_type<sc_vector_subcore>, window_params = [{transform_indices = #map}, {transform_indices = #map1}, {transform_indices = #map}]} {
    %mul3A = arith.constant 2 : i32
    %mul3A_0 = arith.muli %arg1, %mul3A : i32
    %add3A = arith.addi %mul3A_0, %arg0 : i32
    %mul3A_1 = arith.constant 3840 : i32
    %mul3A_2 = arith.muli %add3A, %mul3A_1 : i32
    "tpu.region"() ({
      %run_scoped3A = tpu.sem_alloc : memref<!tpu.dma_semaphore, #tpu.memory_space<semaphore_mem>>
      %dma_start3A_18 = tpu.memref_slice %arg3[%mul3A_2] : memref<122880xi32, #tpu.memory_space<hbm>> -> memref<3840xi32, #tpu.memory_space<hbm>>
      %dma_start3A_19 = tpu.memref_slice %arg3[%mul3A_2] : memref<122880xi32, #tpu.memory_space<hbm>> -> memref<3840xi32, #tpu.memory_space<hbm>>
      tpu.enqueue_dma source(%dma_start3A_19 : memref<3840xi32, #tpu.memory_space<hbm>>) target(%arg5 : memref<3840xi32, #tpu.memory_space<vmem>>) target_semaphore(%run_scoped3A : memref<!tpu.dma_semaphore, #tpu.memory_space<semaphore_mem>>)
      %dma_wait3A = tpu.memref_slice %arg3[%mul3A_2] : memref<122880xi32, #tpu.memory_space<hbm>> -> memref<3840xi32, #tpu.memory_space<hbm>>
      %dma_wait3A_20 = tpu.memref_slice %arg3[%mul3A_2] : memref<122880xi32, #tpu.memory_space<hbm>> -> memref<3840xi32, #tpu.memory_space<hbm>>
      tpu.wait_dma2 semaphore(%run_scoped3A : memref<!tpu.dma_semaphore, #tpu.memory_space<semaphore_mem>>) src(%dma_wait3A_20 : memref<3840xi32, #tpu.memory_space<hbm>>) dst(%arg5 : memref<3840xi32, #tpu.memory_space<vmem>>)
      tpu.yield
    }) : () -> ()
    %dma_start3A = arith.constant 0 : i32
    %dma_start3A_3 = tpu.memref_slice %arg5[%dma_start3A] : memref<3840xi32, #tpu.memory_space<vmem>> -> memref<128xi32, #tpu.memory_space<vmem>>
    %dma_start3A_4 = arith.constant 0 : i32
    %dma_start3A_5 = arith.constant 0 : i32
    %dma_start3A_6 = tpu.memref_slice %arg2[%dma_start3A_4, %dma_start3A_5] : memref<4096x128xf32, #tpu.memory_space<hbm>> -> memref<4096x128xf32, #tpu.memory_space<hbm>>
    tpu.enqueue_indirect_dma source(%dma_start3A_6 : memref<4096x128xf32, #tpu.memory_space<hbm>>) target(%arg6 : memref<128x128xf32, #tpu.memory_space<vmem>>) offsets(%dma_start3A_3 : memref<128xi32, #tpu.memory_space<vmem>>) semaphore(%arg9 : memref<!tpu.dma_semaphore, #tpu.memory_space<semaphore_mem>>)
    %dma_start3A_7 = arith.constant 128 : i32
    %dma_start3A_8 = tpu.memref_slice %arg5[%dma_start3A_7] : memref<3840xi32, #tpu.memory_space<vmem>> -> memref<128xi32, #tpu.memory_space<vmem>>
    %dma_start3A_9 = arith.constant 0 : i32
    %dma_start3A_10 = arith.constant 0 : i32
    %dma_start3A_11 = tpu.memref_slice %arg2[%dma_start3A_9, %dma_start3A_10] : memref<4096x128xf32, #tpu.memory_space<hbm>> -> memref<4096x128xf32, #tpu.memory_space<hbm>>
    tpu.enqueue_indirect_dma source(%dma_start3A_11 : memref<4096x128xf32, #tpu.memory_space<hbm>>) target(%arg7 : memref<128x128xf32, #tpu.memory_space<vmem>>) offsets(%dma_start3A_8 : memref<128xi32, #tpu.memory_space<vmem>>) semaphore(%arg10 : memref<!tpu.dma_semaphore, #tpu.memory_space<semaphore_mem>>)
    %scan3A = arith.constant 0 : i32
    %scan3A_12 = arith.constant 0 : i32
    %scan3A_13 = arith.constant 10 : i32
    %scan3A_14 = arith.addi %scan3A_12, %scan3A_13 : i32
    %scan3A_15 = arith.constant 1 : i32
    %scan3A_16 = scf.for %scan3A_18 = %scan3A_12 to %scan3A_14 step %scan3A_15 iter_args(%scan3A_19 = %scan3A) -> (i32)  : i32 {
      %mul3A_20 = arith.constant 3 : i32
      %mul3A_21 = arith.muli %mul3A_20, %scan3A_18 : i32
      %add3A_22 = arith.constant 2 : i32
      %add3A_23 = arith.addi %mul3A_21, %add3A_22 : i32
      %mul3A_24 = arith.constant 128 : i32
      %mul3A_25 = arith.muli %add3A_23, %mul3A_24 : i32
      %dma_start3A_26 = tpu.memref_slice %arg5[%mul3A_25] : memref<3840xi32, #tpu.memory_space<vmem>> -> memref<128xi32, #tpu.memory_space<vmem>>
      %dma_start3A_27 = arith.constant 0 : i32
      %dma_start3A_28 = arith.constant 0 : i32
      %dma_start3A_29 = tpu.memref_slice %arg2[%dma_start3A_27, %dma_start3A_28] : memref<4096x128xf32, #tpu.memory_space<hbm>> -> memref<4096x128xf32, #tpu.memory_space<hbm>>
      tpu.enqueue_indirect_dma source(%dma_start3A_29 : memref<4096x128xf32, #tpu.memory_space<hbm>>) target(%arg8 : memref<128x128xf32, #tpu.memory_space<vmem>>) offsets(%dma_start3A_26 : memref<128xi32, #tpu.memory_space<vmem>>) semaphore(%arg11 : memref<!tpu.dma_semaphore, #tpu.memory_space<semaphore_mem>>)
      %mul3A_30 = arith.constant 128 : i32
      %mul3A_31 = arith.muli %mul3A_21, %mul3A_30 : i32
      %dma_wait3A = tpu.memref_slice %arg5[%mul3A_31] : memref<3840xi32, #tpu.memory_space<vmem>> -> memref<128xi32, #tpu.memory_space<vmem>>
      %dma_wait3A_32 = arith.constant 0 : i32
      %dma_wait3A_33 = arith.constant 0 : i32
      %dma_wait3A_34 = tpu.memref_slice %arg2[%dma_wait3A_32, %dma_wait3A_33] : memref<4096x128xf32, #tpu.memory_space<hbm>> -> memref<4096x128xf32, #tpu.memory_space<hbm>>
      tpu.wait_indirect_dma semaphore(%arg9 : memref<!tpu.dma_semaphore, #tpu.memory_space<semaphore_mem>>) src(%dma_wait3A_34 : memref<4096x128xf32, #tpu.memory_space<hbm>>) dst(%arg6 : memref<128x128xf32, #tpu.memory_space<vmem>>)
      %mul3A_35 = arith.constant 128 : i32
      %mul3A_36 = arith.muli %mul3A_21, %mul3A_35 : i32
      %add3A_37 = arith.addi %mul3A_2, %mul3A_36 : i32
      "tpu.region"() ({
        %run_scoped3A = tpu.sem_alloc : memref<!tpu.dma_semaphore, #tpu.memory_space<semaphore_mem>>
        %dma_start3A_72 = arith.constant 0 : i32
        %dma_start3A_73 = tpu.memref_slice %arg4[%add3A_37, %dma_start3A_72] : memref<122880x128xf32, #tpu.memory_space<hbm>> -> memref<128x128xf32, #tpu.memory_space<hbm>>
        %dma_start3A_74 = arith.constant 0 : i32
        %dma_start3A_75 = tpu.memref_slice %arg4[%add3A_37, %dma_start3A_74] : memref<122880x128xf32, #tpu.memory_space<hbm>> -> memref<128x128xf32, #tpu.memory_space<hbm>>
        tpu.enqueue_dma source(%arg6 : memref<128x128xf32, #tpu.memory_space<vmem>>) target(%dma_start3A_75 : memref<128x128xf32, #tpu.memory_space<hbm>>) target_semaphore(%run_scoped3A : memref<!tpu.dma_semaphore, #tpu.memory_space<semaphore_mem>>)
        %dma_wait3A_76 = arith.constant 0 : i32
        %dma_wait3A_77 = tpu.memref_slice %arg4[%add3A_37, %dma_wait3A_76] : memref<122880x128xf32, #tpu.memory_space<hbm>> -> memref<128x128xf32, #tpu.memory_space<hbm>>
        %dma_wait3A_78 = arith.constant 0 : i32
        %dma_wait3A_79 = tpu.memref_slice %arg4[%add3A_37, %dma_wait3A_78] : memref<122880x128xf32, #tpu.memory_space<hbm>> -> memref<128x128xf32, #tpu.memory_space<hbm>>
        tpu.wait_dma2 semaphore(%run_scoped3A : memref<!tpu.dma_semaphore, #tpu.memory_space<semaphore_mem>>) src(%arg6 : memref<128x128xf32, #tpu.memory_space<vmem>>) dst(%dma_wait3A_79 : memref<128x128xf32, #tpu.memory_space<hbm>>)
        tpu.yield
      }) : () -> ()
      %add3A_38 = arith.constant 3 : i32
      %add3A_39 = arith.addi %mul3A_21, %add3A_38 : i32
      %lt3A = arith.constant 30 : i32
      %lt3A_40 = arith.cmpi slt, %add3A_39, %lt3A : i32
      %convert_element_type3A = arith.extui %lt3A_40 : i1 to i32
      %cond3A = arith.constant 0 : i32
      %cond3A_41 = arith.cmpi ne, %convert_element_type3A, %cond3A : i32
      scf.if %cond3A_41 {
        %add3A_72 = arith.constant 3 : i32
        %add3A_73 = arith.addi %mul3A_21, %add3A_72 : i32
        %mul3A_74 = arith.constant 128 : i32
        %mul3A_75 = arith.muli %add3A_73, %mul3A_74 : i32
        %dma_start3A_76 = tpu.memref_slice %arg5[%mul3A_75] : memref<3840xi32, #tpu.memory_space<vmem>> -> memref<128xi32, #tpu.memory_space<vmem>>
        %dma_start3A_77 = arith.constant 0 : i32
        %dma_start3A_78 = arith.constant 0 : i32
        %dma_start3A_79 = tpu.memref_slice %arg2[%dma_start3A_77, %dma_start3A_78] : memref<4096x128xf32, #tpu.memory_space<hbm>> -> memref<4096x128xf32, #tpu.memory_space<hbm>>
        tpu.enqueue_indirect_dma source(%dma_start3A_79 : memref<4096x128xf32, #tpu.memory_space<hbm>>) target(%arg6 : memref<128x128xf32, #tpu.memory_space<vmem>>) offsets(%dma_start3A_76 : memref<128xi32, #tpu.memory_space<vmem>>) semaphore(%arg9 : memref<!tpu.dma_semaphore, #tpu.memory_space<semaphore_mem>>)
      } else {
      }
      %add3A_42 = arith.constant 1 : i32
      %add3A_43 = arith.addi %mul3A_21, %add3A_42 : i32
      %mul3A_44 = arith.constant 128 : i32
      %mul3A_45 = arith.muli %add3A_43, %mul3A_44 : i32
      %dma_wait3A_46 = tpu.memref_slice %arg5[%mul3A_45] : memref<3840xi32, #tpu.memory_space<vmem>> -> memref<128xi32, #tpu.memory_space<vmem>>
      %dma_wait3A_47 = arith.constant 0 : i32
      %dma_wait3A_48 = arith.constant 0 : i32
      %dma_wait3A_49 = tpu.memref_slice %arg2[%dma_wait3A_47, %dma_wait3A_48] : memref<4096x128xf32, #tpu.memory_space<hbm>> -> memref<4096x128xf32, #tpu.memory_space<hbm>>
      tpu.wait_indirect_dma semaphore(%arg10 : memref<!tpu.dma_semaphore, #tpu.memory_space<semaphore_mem>>) src(%dma_wait3A_49 : memref<4096x128xf32, #tpu.memory_space<hbm>>) dst(%arg7 : memref<128x128xf32, #tpu.memory_space<vmem>>)
      %mul3A_50 = arith.constant 128 : i32
      %mul3A_51 = arith.muli %add3A_43, %mul3A_50 : i32
      %add3A_52 = arith.addi %mul3A_2, %mul3A_51 : i32
      "tpu.region"() ({
        %run_scoped3A = tpu.sem_alloc : memref<!tpu.dma_semaphore, #tpu.memory_space<semaphore_mem>>
        %dma_start3A_72 = arith.constant 0 : i32
        %dma_start3A_73 = tpu.memref_slice %arg4[%add3A_52, %dma_start3A_72] : memref<122880x128xf32, #tpu.memory_space<hbm>> -> memref<128x128xf32, #tpu.memory_space<hbm>>
        %dma_start3A_74 = arith.constant 0 : i32
        %dma_start3A_75 = tpu.memref_slice %arg4[%add3A_52, %dma_start3A_74] : memref<122880x128xf32, #tpu.memory_space<hbm>> -> memref<128x128xf32, #tpu.memory_space<hbm>>
        tpu.enqueue_dma source(%arg7 : memref<128x128xf32, #tpu.memory_space<vmem>>) target(%dma_start3A_75 : memref<128x128xf32, #tpu.memory_space<hbm>>) target_semaphore(%run_scoped3A : memref<!tpu.dma_semaphore, #tpu.memory_space<semaphore_mem>>)
        %dma_wait3A_76 = arith.constant 0 : i32
        %dma_wait3A_77 = tpu.memref_slice %arg4[%add3A_52, %dma_wait3A_76] : memref<122880x128xf32, #tpu.memory_space<hbm>> -> memref<128x128xf32, #tpu.memory_space<hbm>>
        %dma_wait3A_78 = arith.constant 0 : i32
        %dma_wait3A_79 = tpu.memref_slice %arg4[%add3A_52, %dma_wait3A_78] : memref<122880x128xf32, #tpu.memory_space<hbm>> -> memref<128x128xf32, #tpu.memory_space<hbm>>
        tpu.wait_dma2 semaphore(%run_scoped3A : memref<!tpu.dma_semaphore, #tpu.memory_space<semaphore_mem>>) src(%arg7 : memref<128x128xf32, #tpu.memory_space<vmem>>) dst(%dma_wait3A_79 : memref<128x128xf32, #tpu.memory_space<hbm>>)
        tpu.yield
      }) : () -> ()
      %add3A_53 = arith.constant 4 : i32
      %add3A_54 = arith.addi %mul3A_21, %add3A_53 : i32
      %lt3A_55 = arith.constant 30 : i32
      %lt3A_56 = arith.cmpi slt, %add3A_54, %lt3A_55 : i32
      %convert_element_type3A_57 = arith.extui %lt3A_56 : i1 to i32
      %cond3A_58 = arith.constant 0 : i32
      %cond3A_59 = arith.cmpi ne, %convert_element_type3A_57, %cond3A_58 : i32
      scf.if %cond3A_59 {
        %add3A_72 = arith.constant 4 : i32
        %add3A_73 = arith.addi %mul3A_21, %add3A_72 : i32
        %mul3A_74 = arith.constant 128 : i32
        %mul3A_75 = arith.muli %add3A_73, %mul3A_74 : i32
        %dma_start3A_76 = tpu.memref_slice %arg5[%mul3A_75] : memref<3840xi32, #tpu.memory_space<vmem>> -> memref<128xi32, #tpu.memory_space<vmem>>
        %dma_start3A_77 = arith.constant 0 : i32
        %dma_start3A_78 = arith.constant 0 : i32
        %dma_start3A_79 = tpu.memref_slice %arg2[%dma_start3A_77, %dma_start3A_78] : memref<4096x128xf32, #tpu.memory_space<hbm>> -> memref<4096x128xf32, #tpu.memory_space<hbm>>
        tpu.enqueue_indirect_dma source(%dma_start3A_79 : memref<4096x128xf32, #tpu.memory_space<hbm>>) target(%arg7 : memref<128x128xf32, #tpu.memory_space<vmem>>) offsets(%dma_start3A_76 : memref<128xi32, #tpu.memory_space<vmem>>) semaphore(%arg10 : memref<!tpu.dma_semaphore, #tpu.memory_space<semaphore_mem>>)
      } else {
      }
      %add3A_60 = arith.constant 2 : i32
      %add3A_61 = arith.addi %mul3A_21, %add3A_60 : i32
      %mul3A_62 = arith.constant 128 : i32
      %mul3A_63 = arith.muli %add3A_61, %mul3A_62 : i32
      %dma_wait3A_64 = tpu.memref_slice %arg5[%mul3A_63] : memref<3840xi32, #tpu.memory_space<vmem>> -> memref<128xi32, #tpu.memory_space<vmem>>
      %dma_wait3A_65 = arith.constant 0 : i32
      %dma_wait3A_66 = arith.constant 0 : i32
      %dma_wait3A_67 = tpu.memref_slice %arg2[%dma_wait3A_65, %dma_wait3A_66] : memref<4096x128xf32, #tpu.memory_space<hbm>> -> memref<4096x128xf32, #tpu.memory_space<hbm>>
      tpu.wait_indirect_dma semaphore(%arg11 : memref<!tpu.dma_semaphore, #tpu.memory_space<semaphore_mem>>) src(%dma_wait3A_67 : memref<4096x128xf32, #tpu.memory_space<hbm>>) dst(%arg8 : memref<128x128xf32, #tpu.memory_space<vmem>>)
      %mul3A_68 = arith.constant 128 : i32
      %mul3A_69 = arith.muli %add3A_61, %mul3A_68 : i32
      %add3A_70 = arith.addi %mul3A_2, %mul3A_69 : i32
      "tpu.region"() ({
        %run_scoped3A = tpu.sem_alloc : memref<!tpu.dma_semaphore, #tpu.memory_space<semaphore_mem>>
        %dma_start3A_72 = arith.constant 0 : i32
        %dma_start3A_73 = tpu.memref_slice %arg4[%add3A_70, %dma_start3A_72] : memref<122880x128xf32, #tpu.memory_space<hbm>> -> memref<128x128xf32, #tpu.memory_space<hbm>>
        %dma_start3A_74 = arith.constant 0 : i32
        %dma_start3A_75 = tpu.memref_slice %arg4[%add3A_70, %dma_start3A_74] : memref<122880x128xf32, #tpu.memory_space<hbm>> -> memref<128x128xf32, #tpu.memory_space<hbm>>
        tpu.enqueue_dma source(%arg8 : memref<128x128xf32, #tpu.memory_space<vmem>>) target(%dma_start3A_75 : memref<128x128xf32, #tpu.memory_space<hbm>>) target_semaphore(%run_scoped3A : memref<!tpu.dma_semaphore, #tpu.memory_space<semaphore_mem>>)
        %dma_wait3A_76 = arith.constant 0 : i32
        %dma_wait3A_77 = tpu.memref_slice %arg4[%add3A_70, %dma_wait3A_76] : memref<122880x128xf32, #tpu.memory_space<hbm>> -> memref<128x128xf32, #tpu.memory_space<hbm>>
        %dma_wait3A_78 = arith.constant 0 : i32
        %dma_wait3A_79 = tpu.memref_slice %arg4[%add3A_70, %dma_wait3A_78] : memref<122880x128xf32, #tpu.memory_space<hbm>> -> memref<128x128xf32, #tpu.memory_space<hbm>>
        tpu.wait_dma2 semaphore(%run_scoped3A : memref<!tpu.dma_semaphore, #tpu.memory_space<semaphore_mem>>) src(%arg8 : memref<128x128xf32, #tpu.memory_space<vmem>>) dst(%dma_wait3A_79 : memref<128x128xf32, #tpu.memory_space<hbm>>)
        tpu.yield
      }) : () -> ()
      %scan3A_71 = arith.constant 0 : i32
      scf.yield %scan3A_71 : i32
    }
    %scan3A_17 = arith.constant 10 : i32
    return
  }
}

#map = affine_map<(d0, d1) -> (0, 0)>
#map1 = affine_map<(d0, d1) -> (0)>
module attributes {stable_mosaic.version = 14 : i64} {
  func.func @_gather_body(%arg0: i32, %arg1: i32, %arg2: memref<4096x128xf32, #tpu.memory_space<hbm>>, %arg3: memref<122880xi32, #tpu.memory_space<hbm>>, %arg4: memref<122880x128xf32, #tpu.memory_space<hbm>>, %arg5: memref<3840xi32, #tpu.memory_space<vmem>>, %arg6: memref<128x128xf32, #tpu.memory_space<vmem>>, %arg7: memref<128x128xf32, #tpu.memory_space<vmem>>, %arg8: memref<128x128xf32, #tpu.memory_space<vmem>>, %arg9: memref<!tpu.dma_semaphore, #tpu.memory_space<semaphore_mem>>, %arg10: memref<!tpu.dma_semaphore, #tpu.memory_space<semaphore_mem>>, %arg11: memref<!tpu.dma_semaphore, #tpu.memory_space<semaphore_mem>>) attributes {dimension_semantics = [#tpu.dimension_semantics<core_parallel>, #tpu.dimension_semantics<subcore_parallel>], iteration_bounds = array<i64: 2, 16>, scalar_prefetch = 0 : i64, scratch_operands = 7 : i64, tpu.core_type = #tpu.core_type<sc_vector_subcore>, window_params = [{transform_indices = #map}, {transform_indices = #map1}, {transform_indices = #map}]} {
    %mul3A = arith.constant 2 : i32
    %mul3A_0 = arith.muli %arg1, %mul3A : i32
    %add3A = arith.addi %mul3A_0, %arg0 : i32
    %mul3A_1 = arith.constant 3840 : i32
    %mul3A_2 = arith.muli %add3A, %mul3A_1 : i32
    "tpu.region"() ({
      %run_scoped3A = tpu.sem_alloc : memref<!tpu.dma_semaphore, #tpu.memory_space<semaphore_mem>>
      %dma_start3A_18 = tpu.memref_slice %arg3[%mul3A_2] : memref<122880xi32, #tpu.memory_space<hbm>> -> memref<3840xi32, #tpu.memory_space<hbm>>
      %dma_start3A_19 = tpu.memref_slice %arg3[%mul3A_2] : memref<122880xi32, #tpu.memory_space<hbm>> -> memref<3840xi32, #tpu.memory_space<hbm>>
      tpu.enqueue_dma source(%dma_start3A_19 : memref<3840xi32, #tpu.memory_space<hbm>>) target(%arg5 : memref<3840xi32, #tpu.memory_space<vmem>>) target_semaphore(%run_scoped3A : memref<!tpu.dma_semaphore, #tpu.memory_space<semaphore_mem>>)
      %dma_wait3A = tpu.memref_slice %arg3[%mul3A_2] : memref<122880xi32, #tpu.memory_space<hbm>> -> memref<3840xi32, #tpu.memory_space<hbm>>
      %dma_wait3A_20 = tpu.memref_slice %arg3[%mul3A_2] : memref<122880xi32, #tpu.memory_space<hbm>> -> memref<3840xi32, #tpu.memory_space<hbm>>
      tpu.wait_dma2 semaphore(%run_scoped3A : memref<!tpu.dma_semaphore, #tpu.memory_space<semaphore_mem>>) src(%dma_wait3A_20 : memref<3840xi32, #tpu.memory_space<hbm>>) dst(%arg5 : memref<3840xi32, #tpu.memory_space<vmem>>)
      tpu.yield
    }) : () -> ()
    %dma_start3A = arith.constant 0 : i32
    %dma_start3A_3 = tpu.memref_slice %arg5[%dma_start3A] : memref<3840xi32, #tpu.memory_space<vmem>> -> memref<128xi32, #tpu.memory_space<vmem>>
    %dma_start3A_4 = arith.constant 0 : i32
    %dma_start3A_5 = arith.constant 0 : i32
    %dma_start3A_6 = tpu.memref_slice %arg2[%dma_start3A_4, %dma_start3A_5] : memref<4096x128xf32, #tpu.memory_space<hbm>> -> memref<4096x128xf32, #tpu.memory_space<hbm>>
    tpu.enqueue_indirect_dma source(%dma_start3A_6 : memref<4096x128xf32, #tpu.memory_space<hbm>>) target(%arg6 : memref<128x128xf32, #tpu.memory_space<vmem>>) offsets(%dma_start3A_3 : memref<128xi32, #tpu.memory_space<vmem>>) semaphore(%arg9 : memref<!tpu.dma_semaphore, #tpu.memory_space<semaphore_mem>>)
    %dma_start3A_7 = arith.constant 128 : i32
    %dma_start3A_8 = tpu.memref_slice %arg5[%dma_start3A_7] : memref<3840xi32, #tpu.memory_space<vmem>> -> memref<128xi32, #tpu.memory_space<vmem>>
    %dma_start3A_9 = arith.constant 0 : i32
    %dma_start3A_10 = arith.constant 0 : i32
    %dma_start3A_11 = tpu.memref_slice %arg2[%dma_start3A_9, %dma_start3A_10] : memref<4096x128xf32, #tpu.memory_space<hbm>> -> memref<4096x128xf32, #tpu.memory_space<hbm>>
    tpu.enqueue_indirect_dma source(%dma_start3A_11 : memref<4096x128xf32, #tpu.memory_space<hbm>>) target(%arg7 : memref<128x128xf32, #tpu.memory_space<vmem>>) offsets(%dma_start3A_8 : memref<128xi32, #tpu.memory_space<vmem>>) semaphore(%arg10 : memref<!tpu.dma_semaphore, #tpu.memory_space<semaphore_mem>>)
    %scan3A = arith.constant 0 : i32
    %scan3A_12 = arith.constant 0 : i32
    %scan3A_13 = arith.constant 10 : i32
    %scan3A_14 = arith.addi %scan3A_12, %scan3A_13 : i32
    %scan3A_15 = arith.constant 1 : i32
    %scan3A_16 = scf.for %scan3A_18 = %scan3A_12 to %scan3A_14 step %scan3A_15 iter_args(%scan3A_19 = %scan3A) -> (i32)  : i32 {
      %mul3A_20 = arith.constant 3 : i32
      %mul3A_21 = arith.muli %mul3A_20, %scan3A_18 : i32
      %add3A_22 = arith.constant 2 : i32
      %add3A_23 = arith.addi %mul3A_21, %add3A_22 : i32
      %mul3A_24 = arith.constant 128 : i32
      %mul3A_25 = arith.muli %add3A_23, %mul3A_24 : i32
      %dma_start3A_26 = tpu.memref_slice %arg5[%mul3A_25] : memref<3840xi32, #tpu.memory_space<vmem>> -> memref<128xi32, #tpu.memory_space<vmem>>
      %dma_start3A_27 = arith.constant 0 : i32
      %dma_start3A_28 = arith.constant 0 : i32
      %dma_start3A_29 = tpu.memref_slice %arg2[%dma_start3A_27, %dma_start3A_28] : memref<4096x128xf32, #tpu.memory_space<hbm>> -> memref<4096x128xf32, #tpu.memory_space<hbm>>
      tpu.enqueue_indirect_dma source(%dma_start3A_29 : memref<4096x128xf32, #tpu.memory_space<hbm>>) target(%arg8 : memref<128x128xf32, #tpu.memory_space<vmem>>) offsets(%dma_start3A_26 : memref<128xi32, #tpu.memory_space<vmem>>) semaphore(%arg11 : memref<!tpu.dma_semaphore, #tpu.memory_space<semaphore_mem>>)
      %mul3A_30 = arith.constant 128 : i32
      %mul3A_31 = arith.muli %mul3A_21, %mul3A_30 : i32
      %dma_wait3A = tpu.memref_slice %arg5[%mul3A_31] : memref<3840xi32, #tpu.memory_space<vmem>> -> memref<128xi32, #tpu.memory_space<vmem>>
      %dma_wait3A_32 = arith.constant 0 : i32
      %dma_wait3A_33 = arith.constant 0 : i32
      %dma_wait3A_34 = tpu.memref_slice %arg2[%dma_wait3A_32, %dma_wait3A_33] : memref<4096x128xf32, #tpu.memory_space<hbm>> -> memref<4096x128xf32, #tpu.memory_space<hbm>>
      tpu.wait_indirect_dma semaphore(%arg9 : memref<!tpu.dma_semaphore, #tpu.memory_space<semaphore_mem>>) src(%dma_wait3A_34 : memref<4096x128xf32, #tpu.memory_space<hbm>>) dst(%arg6 : memref<128x128xf32, #tpu.memory_space<vmem>>)
      %mul3A_35 = arith.constant 128 : i32
      %mul3A_36 = arith.muli %mul3A_21, %mul3A_35 : i32
      %add3A_37 = arith.addi %mul3A_2, %mul3A_36 : i32
      "tpu.region"() ({
        %run_scoped3A = tpu.sem_alloc : memref<!tpu.dma_semaphore, #tpu.memory_space<semaphore_mem>>
        %dma_start3A_72 = arith.constant 0 : i32
        %dma_start3A_73 = tpu.memref_slice %arg4[%add3A_37, %dma_start3A_72] : memref<122880x128xf32, #tpu.memory_space<hbm>> -> memref<128x128xf32, #tpu.memory_space<hbm>>
        %dma_start3A_74 = arith.constant 0 : i32
        %dma_start3A_75 = tpu.memref_slice %arg4[%add3A_37, %dma_start3A_74] : memref<122880x128xf32, #tpu.memory_space<hbm>> -> memref<128x128xf32, #tpu.memory_space<hbm>>
        tpu.enqueue_dma source(%arg6 : memref<128x128xf32, #tpu.memory_space<vmem>>) target(%dma_start3A_75 : memref<128x128xf32, #tpu.memory_space<hbm>>) target_semaphore(%run_scoped3A : memref<!tpu.dma_semaphore, #tpu.memory_space<semaphore_mem>>)
        %dma_wait3A_76 = arith.constant 0 : i32
        %dma_wait3A_77 = tpu.memref_slice %arg4[%add3A_37, %dma_wait3A_76] : memref<122880x128xf32, #tpu.memory_space<hbm>> -> memref<128x128xf32, #tpu.memory_space<hbm>>
        %dma_wait3A_78 = arith.constant 0 : i32
        %dma_wait3A_79 = tpu.memref_slice %arg4[%add3A_37, %dma_wait3A_78] : memref<122880x128xf32, #tpu.memory_space<hbm>> -> memref<128x128xf32, #tpu.memory_space<hbm>>
        tpu.wait_dma2 semaphore(%run_scoped3A : memref<!tpu.dma_semaphore, #tpu.memory_space<semaphore_mem>>) src(%arg6 : memref<128x128xf32, #tpu.memory_space<vmem>>) dst(%dma_wait3A_79 : memref<128x128xf32, #tpu.memory_space<hbm>>)
        tpu.yield
      }) : () -> ()
      %add3A_38 = arith.constant 3 : i32
      %add3A_39 = arith.addi %mul3A_21, %add3A_38 : i32
      %lt3A = arith.constant 30 : i32
      %lt3A_40 = arith.cmpi slt, %add3A_39, %lt3A : i32
      %convert_element_type3A = arith.extui %lt3A_40 : i1 to i32
      %cond3A = arith.constant 0 : i32
      %cond3A_41 = arith.cmpi ne, %convert_element_type3A, %cond3A : i32
      scf.if %cond3A_41 {
        %add3A_72 = arith.constant 3 : i32
        %add3A_73 = arith.addi %mul3A_21, %add3A_72 : i32
        %mul3A_74 = arith.constant 128 : i32
        %mul3A_75 = arith.muli %add3A_73, %mul3A_74 : i32
        %dma_start3A_76 = tpu.memref_slice %arg5[%mul3A_75] : memref<3840xi32, #tpu.memory_space<vmem>> -> memref<128xi32, #tpu.memory_space<vmem>>
        %dma_start3A_77 = arith.constant 0 : i32
        %dma_start3A_78 = arith.constant 0 : i32
        %dma_start3A_79 = tpu.memref_slice %arg2[%dma_start3A_77, %dma_start3A_78] : memref<4096x128xf32, #tpu.memory_space<hbm>> -> memref<4096x128xf32, #tpu.memory_space<hbm>>
        tpu.enqueue_indirect_dma source(%dma_start3A_79 : memref<4096x128xf32, #tpu.memory_space<hbm>>) target(%arg6 : memref<128x128xf32, #tpu.memory_space<vmem>>) offsets(%dma_start3A_76 : memref<128xi32, #tpu.memory_space<vmem>>) semaphore(%arg9 : memref<!tpu.dma_semaphore, #tpu.memory_space<semaphore_mem>>)
      } else {
      }
      %add3A_42 = arith.constant 1 : i32
      %add3A_43 = arith.addi %mul3A_21, %add3A_42 : i32
      %mul3A_44 = arith.constant 128 : i32
      %mul3A_45 = arith.muli %add3A_43, %mul3A_44 : i32
      %dma_wait3A_46 = tpu.memref_slice %arg5[%mul3A_45] : memref<3840xi32, #tpu.memory_space<vmem>> -> memref<128xi32, #tpu.memory_space<vmem>>
      %dma_wait3A_47 = arith.constant 0 : i32
      %dma_wait3A_48 = arith.constant 0 : i32
      %dma_wait3A_49 = tpu.memref_slice %arg2[%dma_wait3A_47, %dma_wait3A_48] : memref<4096x128xf32, #tpu.memory_space<hbm>> -> memref<4096x128xf32, #tpu.memory_space<hbm>>
      tpu.wait_indirect_dma semaphore(%arg10 : memref<!tpu.dma_semaphore, #tpu.memory_space<semaphore_mem>>) src(%dma_wait3A_49 : memref<4096x128xf32, #tpu.memory_space<hbm>>) dst(%arg7 : memref<128x128xf32, #tpu.memory_space<vmem>>)
      %mul3A_50 = arith.constant 128 : i32
      %mul3A_51 = arith.muli %add3A_43, %mul3A_50 : i32
      %add3A_52 = arith.addi %mul3A_2, %mul3A_51 : i32
      "tpu.region"() ({
        %run_scoped3A = tpu.sem_alloc : memref<!tpu.dma_semaphore, #tpu.memory_space<semaphore_mem>>
        %dma_start3A_72 = arith.constant 0 : i32
        %dma_start3A_73 = tpu.memref_slice %arg4[%add3A_52, %dma_start3A_72] : memref<122880x128xf32, #tpu.memory_space<hbm>> -> memref<128x128xf32, #tpu.memory_space<hbm>>
        %dma_start3A_74 = arith.constant 0 : i32
        %dma_start3A_75 = tpu.memref_slice %arg4[%add3A_52, %dma_start3A_74] : memref<122880x128xf32, #tpu.memory_space<hbm>> -> memref<128x128xf32, #tpu.memory_space<hbm>>
        tpu.enqueue_dma source(%arg7 : memref<128x128xf32, #tpu.memory_space<vmem>>) target(%dma_start3A_75 : memref<128x128xf32, #tpu.memory_space<hbm>>) target_semaphore(%run_scoped3A : memref<!tpu.dma_semaphore, #tpu.memory_space<semaphore_mem>>)
        %dma_wait3A_76 = arith.constant 0 : i32
        %dma_wait3A_77 = tpu.memref_slice %arg4[%add3A_52, %dma_wait3A_76] : memref<122880x128xf32, #tpu.memory_space<hbm>> -> memref<128x128xf32, #tpu.memory_space<hbm>>
        %dma_wait3A_78 = arith.constant 0 : i32
        %dma_wait3A_79 = tpu.memref_slice %arg4[%add3A_52, %dma_wait3A_78] : memref<122880x128xf32, #tpu.memory_space<hbm>> -> memref<128x128xf32, #tpu.memory_space<hbm>>
        tpu.wait_dma2 semaphore(%run_scoped3A : memref<!tpu.dma_semaphore, #tpu.memory_space<semaphore_mem>>) src(%arg7 : memref<128x128xf32, #tpu.memory_space<vmem>>) dst(%dma_wait3A_79 : memref<128x128xf32, #tpu.memory_space<hbm>>)
        tpu.yield
      }) : () -> ()
      %add3A_53 = arith.constant 4 : i32
      %add3A_54 = arith.addi %mul3A_21, %add3A_53 : i32
      %lt3A_55 = arith.constant 30 : i32
      %lt3A_56 = arith.cmpi slt, %add3A_54, %lt3A_55 : i32
      %convert_element_type3A_57 = arith.extui %lt3A_56 : i1 to i32
      %cond3A_58 = arith.constant 0 : i32
      %cond3A_59 = arith.cmpi ne, %convert_element_type3A_57, %cond3A_58 : i32
      scf.if %cond3A_59 {
        %add3A_72 = arith.constant 4 : i32
        %add3A_73 = arith.addi %mul3A_21, %add3A_72 : i32
        %mul3A_74 = arith.constant 128 : i32
        %mul3A_75 = arith.muli %add3A_73, %mul3A_74 : i32
        %dma_start3A_76 = tpu.memref_slice %arg5[%mul3A_75] : memref<3840xi32, #tpu.memory_space<vmem>> -> memref<128xi32, #tpu.memory_space<vmem>>
        %dma_start3A_77 = arith.constant 0 : i32
        %dma_start3A_78 = arith.constant 0 : i32
        %dma_start3A_79 = tpu.memref_slice %arg2[%dma_start3A_77, %dma_start3A_78] : memref<4096x128xf32, #tpu.memory_space<hbm>> -> memref<4096x128xf32, #tpu.memory_space<hbm>>
        tpu.enqueue_indirect_dma source(%dma_start3A_79 : memref<4096x128xf32, #tpu.memory_space<hbm>>) target(%arg7 : memref<128x128xf32, #tpu.memory_space<vmem>>) offsets(%dma_start3A_76 : memref<128xi32, #tpu.memory_space<vmem>>) semaphore(%arg10 : memref<!tpu.dma_semaphore, #tpu.memory_space<semaphore_mem>>)
      } else {
      }
      %add3A_60 = arith.constant 2 : i32
      %add3A_61 = arith.addi %mul3A_21, %add3A_60 : i32
      %mul3A_62 = arith.constant 128 : i32
      %mul3A_63 = arith.muli %add3A_61, %mul3A_62 : i32
      %dma_wait3A_64 = tpu.memref_slice %arg5[%mul3A_63] : memref<3840xi32, #tpu.memory_space<vmem>> -> memref<128xi32, #tpu.memory_space<vmem>>
      %dma_wait3A_65 = arith.constant 0 : i32
      %dma_wait3A_66 = arith.constant 0 : i32
      %dma_wait3A_67 = tpu.memref_slice %arg2[%dma_wait3A_65, %dma_wait3A_66] : memref<4096x128xf32, #tpu.memory_space<hbm>> -> memref<4096x128xf32, #tpu.memory_space<hbm>>
      tpu.wait_indirect_dma semaphore(%arg11 : memref<!tpu.dma_semaphore, #tpu.memory_space<semaphore_mem>>) src(%dma_wait3A_67 : memref<4096x128xf32, #tpu.memory_space<hbm>>) dst(%arg8 : memref<128x128xf32, #tpu.memory_space<vmem>>)
      %mul3A_68 = arith.constant 128 : i32
      %mul3A_69 = arith.muli %add3A_61, %mul3A_68 : i32
      %add3A_70 = arith.addi %mul3A_2, %mul3A_69 : i32
      "tpu.region"() ({
        %run_scoped3A = tpu.sem_alloc : memref<!tpu.dma_semaphore, #tpu.memory_space<semaphore_mem>>
        %dma_start3A_72 = arith.constant 0 : i32
        %dma_start3A_73 = tpu.memref_slice %arg4[%add3A_70, %dma_start3A_72] : memref<122880x128xf32, #tpu.memory_space<hbm>> -> memref<128x128xf32, #tpu.memory_space<hbm>>
        %dma_start3A_74 = arith.constant 0 : i32
        %dma_start3A_75 = tpu.memref_slice %arg4[%add3A_70, %dma_start3A_74] : memref<122880x128xf32, #tpu.memory_space<hbm>> -> memref<128x128xf32, #tpu.memory_space<hbm>>
        tpu.enqueue_dma source(%arg8 : memref<128x128xf32, #tpu.memory_space<vmem>>) target(%dma_start3A_75 : memref<128x128xf32, #tpu.memory_space<hbm>>) target_semaphore(%run_scoped3A : memref<!tpu.dma_semaphore, #tpu.memory_space<semaphore_mem>>)
        %dma_wait3A_76 = arith.constant 0 : i32
        %dma_wait3A_77 = tpu.memref_slice %arg4[%add3A_70, %dma_wait3A_76] : memref<122880x128xf32, #tpu.memory_space<hbm>> -> memref<128x128xf32, #tpu.memory_space<hbm>>
        %dma_wait3A_78 = arith.constant 0 : i32
        %dma_wait3A_79 = tpu.memref_slice %arg4[%add3A_70, %dma_wait3A_78] : memref<122880x128xf32, #tpu.memory_space<hbm>> -> memref<128x128xf32, #tpu.memory_space<hbm>>
        tpu.wait_dma2 semaphore(%run_scoped3A : memref<!tpu.dma_semaphore, #tpu.memory_space<semaphore_mem>>) src(%arg8 : memref<128x128xf32, #tpu.memory_space<vmem>>) dst(%dma_wait3A_79 : memref<128x128xf32, #tpu.memory_space<hbm>>)
        tpu.yield
      }) : () -> ()
      %scan3A_71 = arith.constant 0 : i32
      scf.yield %scan3A_71 : i32
    }
    %scan3A_17 = arith.constant 10 : i32
    return
  }
}

module attributes {stable_mosaic.version = 14 : i64} {
  func.func @_knn_body(%arg0: i32, %arg1: i32, %arg2: memref<1x2048x3xf32, #tpu.memory_space<vmem>>, %arg3: memref<1x3x256xf32, #tpu.memory_space<vmem>>, %arg4: memref<1x32x256xi32, #tpu.memory_space<vmem>>, %arg5: memref<1x32x256xf32, #tpu.memory_space<vmem>>, %arg6: memref<2048x256xi32, #tpu.memory_space<vmem>>) attributes {dimension_semantics = [#tpu.dimension_semantics<arbitrary>, #tpu.dimension_semantics<arbitrary>], iteration_bounds = array<i64: 2, 8>, scalar_prefetch = 0 : i64, scratch_operands = 1 : i64, tpu.core_type = #tpu.core_type<tc>, window_params = [{transform_indices = @transform_0, window_bounds = array<i64: 1, 2048, 3>}, {transform_indices = @transform_1, window_bounds = array<i64: 1, 3, 256>}, {transform_indices = @transform_2, window_bounds = array<i64: 1, 32, 256>}, {transform_indices = @transform_3, window_bounds = array<i64: 1, 32, 256>}]} {
    %get3A = arith.constant 0 : index
    %get3A_0 = arith.constant 0 : index
    %get3A_1 = arith.constant 0 : index
    %get3A_2 = vector.load %arg2[%get3A, %get3A_0, %get3A_1] : memref<1x2048x3xf32, #tpu.memory_space<vmem>>, vector<1x2048x3xf32>
    %get3A_3 = vector.shape_cast %get3A_2 : vector<1x2048x3xf32> to vector<2048x3xf32>
    %get3A_4 = arith.constant 0 : index
    %get3A_5 = arith.constant 0 : index
    %get3A_6 = arith.constant 0 : index
    %get3A_7 = vector.load %arg3[%get3A_4, %get3A_5, %get3A_6] : memref<1x3x256xf32, #tpu.memory_space<vmem>>, vector<1x3x256xf32>
    %get3A_8 = vector.shape_cast %get3A_7 : vector<1x3x256xf32> to vector<3x256xf32>
    %slice3A = vector.extract_strided_slice %get3A_3 {offsets = [0, 0], sizes = [2048, 1], strides = [1, 1]} : vector<2048x3xf32> to vector<2048x1xf32>
    %slice3A_9 = vector.extract_strided_slice %get3A_8 {offsets = [0, 0], sizes = [1, 256], strides = [1, 1]} : vector<3x256xf32> to vector<1x256xf32>
    %sub3A = vector.broadcast %slice3A : vector<2048x1xf32> to vector<2048x256xf32>
    %sub3A_10 = vector.broadcast %slice3A_9 : vector<1x256xf32> to vector<2048x256xf32>
    %sub3A_11 = arith.subf %sub3A, %sub3A_10 : vector<2048x256xf32>
    %mul3A = arith.mulf %sub3A_11, %sub3A_11 : vector<2048x256xf32>
    %slice3A_12 = vector.extract_strided_slice %get3A_3 {offsets = [0, 1], sizes = [2048, 1], strides = [1, 1]} : vector<2048x3xf32> to vector<2048x1xf32>
    %slice3A_13 = vector.extract_strided_slice %get3A_8 {offsets = [1, 0], sizes = [1, 256], strides = [1, 1]} : vector<3x256xf32> to vector<1x256xf32>
    %sub3A_14 = vector.broadcast %slice3A_12 : vector<2048x1xf32> to vector<2048x256xf32>
    %sub3A_15 = vector.broadcast %slice3A_13 : vector<1x256xf32> to vector<2048x256xf32>
    %sub3A_16 = arith.subf %sub3A_14, %sub3A_15 : vector<2048x256xf32>
    %mul3A_17 = arith.mulf %sub3A_16, %sub3A_16 : vector<2048x256xf32>
    %add3A = arith.addf %mul3A, %mul3A_17 : vector<2048x256xf32>
    %slice3A_18 = vector.extract_strided_slice %get3A_3 {offsets = [0, 2], sizes = [2048, 1], strides = [1, 1]} : vector<2048x3xf32> to vector<2048x1xf32>
    %slice3A_19 = vector.extract_strided_slice %get3A_8 {offsets = [2, 0], sizes = [1, 256], strides = [1, 1]} : vector<3x256xf32> to vector<1x256xf32>
    %sub3A_20 = vector.broadcast %slice3A_18 : vector<2048x1xf32> to vector<2048x256xf32>
    %sub3A_21 = vector.broadcast %slice3A_19 : vector<1x256xf32> to vector<2048x256xf32>
    %sub3A_22 = arith.subf %sub3A_20, %sub3A_21 : vector<2048x256xf32>
    %mul3A_23 = arith.mulf %sub3A_22, %sub3A_22 : vector<2048x256xf32>
    %add3A_24 = arith.addf %add3A, %mul3A_23 : vector<2048x256xf32>
    %bitcast_convert_type3A = tpu.bitcast %add3A_24 : vector<2048x256xf32> -> vector<2048x256xi32>
    %iota3A = tpu.iota {dimensions = array<i32: 0>} : vector<2048x256xi32>
    %and3A = arith.constant -2048 : i32
    %and3A_25 = vector.broadcast %and3A : i32 to vector<2048x256xi32>
    %and3A_26 = arith.andi %bitcast_convert_type3A, %and3A_25 : vector<2048x256xi32>
    %or3A = arith.ori %and3A_26, %iota3A : vector<2048x256xi32>
    %swap3A = arith.constant 0 : index
    %swap3A_27 = arith.constant 0 : index
    %swap3A_28 = vector.load %arg6[%swap3A, %swap3A_27] : memref<2048x256xi32, #tpu.memory_space<vmem>>, vector<2048x256xi32>
    tpu.vector_store %arg6[%swap3A, %swap3A_27], %or3A {strides = array<i32>} : memref<2048x256xi32, #tpu.memory_space<vmem>>, vector<2048x256xi32>,
    %scan3A = arith.constant 0 : i32
    %scan3A_29 = arith.constant 30 : i32
    %scan3A_30 = arith.addi %scan3A, %scan3A_29 : i32
    %scan3A_31 = arith.constant 1 : i32
    scf.for %scan3A_33 = %scan3A to %scan3A_30 step %scan3A_31  : i32 {
      %get3A_34 = arith.constant 0 : index
      %get3A_35 = arith.constant 0 : index
      %get3A_36 = vector.load %arg6[%get3A_34, %get3A_35] : memref<2048x256xi32, #tpu.memory_space<vmem>>, vector<2048x256xi32>
      %reduce_min3A = arith.constant dense<2147483647> : vector<256xi32>
      %reduce_min3A_37 = vector.multi_reduction <minsi>, %get3A_36, %reduce_min3A [0] : vector<2048x256xi32> to vector<256xi32>
      %broadcast_in_dim3A = vector.shape_cast %reduce_min3A_37 : vector<256xi32> to vector<1x256xi32>
      %and3A_38 = arith.constant 2047 : i32
      %and3A_39 = vector.broadcast %and3A_38 : i32 to vector<1x256xi32>
      %and3A_40 = arith.andi %broadcast_in_dim3A, %and3A_39 : vector<1x256xi32>
      %mul3A_41 = arith.constant 2048 : i32
      %mul3A_42 = arith.muli %arg0, %mul3A_41 : i32
      %add3A_43 = vector.broadcast %mul3A_42 : i32 to vector<1x256xi32>
      %add3A_44 = arith.addi %and3A_40, %add3A_43 : vector<1x256xi32>
      %swap3A_45 = arith.constant 0 : index
      %swap3A_46 = arith.index_cast %scan3A_33 : i32 to index
      %swap3A_47 = arith.constant 0 : index
      %swap3A_48 = vector.load %arg4[%swap3A_45, %swap3A_46, %swap3A_47] : memref<1x32x256xi32, #tpu.memory_space<vmem>>, vector<1x1x256xi32>
      %swap3A_49 = vector.shape_cast %swap3A_48 : vector<1x1x256xi32> to vector<1x256xi32>
      %swap3A_50 = vector.shape_cast %add3A_44 : vector<1x256xi32> to vector<1x1x256xi32>
      tpu.vector_store %arg4[%swap3A_45, %swap3A_46, %swap3A_47], %swap3A_50 {strides = array<i32>} : memref<1x32x256xi32, #tpu.memory_space<vmem>>, vector<1x1x256xi32>,
      %and3A_51 = arith.constant -2048 : i32
      %and3A_52 = vector.broadcast %and3A_51 : i32 to vector<1x256xi32>
      %and3A_53 = arith.andi %broadcast_in_dim3A, %and3A_52 : vector<1x256xi32>
      %or3A_54 = arith.constant 1024 : i32
      %or3A_55 = vector.broadcast %or3A_54 : i32 to vector<1x256xi32>
      %or3A_56 = arith.ori %and3A_53, %or3A_55 : vector<1x256xi32>
      %bitcast_convert_type3A_57 = tpu.bitcast %or3A_56 : vector<1x256xi32> -> vector<1x256xf32>
      %swap3A_58 = arith.constant 0 : index
      %swap3A_59 = arith.index_cast %scan3A_33 : i32 to index
      %swap3A_60 = arith.constant 0 : index
      %swap3A_61 = vector.load %arg5[%swap3A_58, %swap3A_59, %swap3A_60] : memref<1x32x256xf32, #tpu.memory_space<vmem>>, vector<1x1x256xf32>
      %swap3A_62 = vector.shape_cast %swap3A_61 : vector<1x1x256xf32> to vector<1x256xf32>
      %swap3A_63 = vector.shape_cast %bitcast_convert_type3A_57 : vector<1x256xf32> to vector<1x1x256xf32>
      tpu.vector_store %arg5[%swap3A_58, %swap3A_59, %swap3A_60], %swap3A_63 {strides = array<i32>} : memref<1x32x256xf32, #tpu.memory_space<vmem>>, vector<1x1x256xf32>,
      %eq3A = vector.broadcast %broadcast_in_dim3A : vector<1x256xi32> to vector<2048x256xi32>
      %eq3A_64 = arith.cmpi eq, %get3A_36, %eq3A : vector<2048x256xi32>
      %jit3A = arith.constant 2147483647 : i32
      %broadcast_in_dim3A_65 = vector.broadcast %jit3A : i32 to vector<2048x256xi32>
      %select_n3A = arith.select %eq3A_64, %broadcast_in_dim3A_65, %get3A_36 : vector<2048x256xi1>, vector<2048x256xi32>
      %swap3A_66 = arith.constant 0 : index
      %swap3A_67 = arith.constant 0 : index
      %swap3A_68 = vector.load %arg6[%swap3A_66, %swap3A_67] : memref<2048x256xi32, #tpu.memory_space<vmem>>, vector<2048x256xi32>
      tpu.vector_store %arg6[%swap3A_66, %swap3A_67], %select_n3A {strides = array<i32>} : memref<2048x256xi32, #tpu.memory_space<vmem>>, vector<2048x256xi32>,
    }
    %scan3A_32 = arith.constant 30 : i32
    return
  }
  func.func @transform_0(%arg0: i32, %arg1: i32) -> (i32, i32, i32) {
    %c0_i32 = arith.constant 0 : i32
    %c0_i32_0 = arith.constant 0 : i32
    %c0_i32_1 = arith.constant 0 : i32
    return %arg0, %c0_i32, %c0_i32_0 : i32, i32, i32
  }
  func.func @transform_1(%arg0: i32, %arg1: i32) -> (i32, i32, i32) {
    %c0_i32 = arith.constant 0 : i32
    %c0_i32_0 = arith.constant 0 : i32
    return %arg0, %c0_i32, %arg1 : i32, i32, i32
  }
  func.func @transform_2(%arg0: i32, %arg1: i32) -> (i32, i32, i32) {
    %c0_i32 = arith.constant 0 : i32
    %c0_i32_0 = arith.constant 0 : i32
    return %arg0, %c0_i32, %arg1 : i32, i32, i32
  }
  func.func @transform_3(%arg0: i32, %arg1: i32) -> (i32, i32, i32) {
    %c0_i32 = arith.constant 0 : i32
    %c0_i32_0 = arith.constant 0 : i32
    return %arg0, %c0_i32, %arg1 : i32, i32, i32
  }
}

module attributes {stable_mosaic.version = 14 : i64} {
  func.func @_layer_body(%arg0: i32, %arg1: i32, %arg2: memref<128x128xf32, #tpu.memory_space<vmem>>, %arg3: memref<1x30x128x128xf32, #tpu.memory_space<vmem>>, %arg4: memref<1x30x128x1xf32, #tpu.memory_space<vmem>>, %arg5: memref<128x514xbf16, #tpu.memory_space<vmem>>, %arg6: memref<128x514xbf16, #tpu.memory_space<vmem>>, %arg7: memref<1x514xf32, #tpu.memory_space<vmem>>, %arg8: memref<1x514xf32, #tpu.memory_space<vmem>>, %arg9: memref<514x16xf32, #tpu.memory_space<vmem>>, %arg10: memref<1x16xf32, #tpu.memory_space<vmem>>, %arg11: memref<16x1xf32, #tpu.memory_space<vmem>>, %arg12: memref<1x1xf32, #tpu.memory_space<vmem>>, %arg13: memref<1x128xf32, #tpu.memory_space<vmem>>, %arg14: memref<1x128xf32, #tpu.memory_space<vmem>>, %arg15: memref<128x256xf32, #tpu.memory_space<vmem>>, %arg16: memref<16x256xf32, #tpu.memory_space<vmem>>, %arg17: memref<1x256xf32, #tpu.memory_space<vmem>>, %arg18: memref<256x128xf32, #tpu.memory_space<vmem>>, %arg19: memref<1x128xf32, #tpu.memory_space<vmem>>, %arg20: memref<128x128xf32, #tpu.memory_space<vmem>>) attributes {dimension_semantics = [#tpu.dimension_semantics<parallel>, #tpu.dimension_semantics<parallel>], iteration_bounds = array<i64: 2, 16>, scalar_prefetch = 0 : i64, scratch_operands = 0 : i64, tpu.core_type = #tpu.core_type<tc>, window_params = [{transform_indices = @transform_0, window_bounds = array<i64: 128, 128>}, {transform_indices = @transform_1, window_bounds = array<i64: 1, 30, 128, 128>}, {transform_indices = @transform_2, window_bounds = array<i64: 1, 30, 128, 1>}, {pipeline_mode = #tpu.pipeline_mode<synchronous>, transform_indices = @transform_3, window_bounds = array<i64: 128, 514>}, {pipeline_mode = #tpu.pipeline_mode<synchronous>, transform_indices = @transform_4, window_bounds = array<i64: 128, 514>}, {pipeline_mode = #tpu.pipeline_mode<synchronous>, transform_indices = @transform_5, window_bounds = array<i64: 1, 514>}, {pipeline_mode = #tpu.pipeline_mode<synchronous>, transform_indices = @transform_6, window_bounds = array<i64: 1, 514>}, {pipeline_mode = #tpu.pipeline_mode<synchronous>, transform_indices = @transform_7, window_bounds = array<i64: 514, 16>}, {pipeline_mode = #tpu.pipeline_mode<synchronous>, transform_indices = @transform_8, window_bounds = array<i64: 1, 16>}, {pipeline_mode = #tpu.pipeline_mode<synchronous>, transform_indices = @transform_9, window_bounds = array<i64: 16, 1>}, {pipeline_mode = #tpu.pipeline_mode<synchronous>, transform_indices = @transform_10, window_bounds = array<i64: 1, 1>}, {pipeline_mode = #tpu.pipeline_mode<synchronous>, transform_indices = @transform_11, window_bounds = array<i64: 1, 128>}, {pipeline_mode = #tpu.pipeline_mode<synchronous>, transform_indices = @transform_12, window_bounds = array<i64: 1, 128>}, {pipeline_mode = #tpu.pipeline_mode<synchronous>, transform_indices = @transform_13, window_bounds = array<i64: 128, 256>}, {pipeline_mode = #tpu.pipeline_mode<synchronous>, transform_indices = @transform_14, window_bounds = array<i64: 16, 256>}, {pipeline_mode = #tpu.pipeline_mode<synchronous>, transform_indices = @transform_15, window_bounds = array<i64: 1, 256>}, {pipeline_mode = #tpu.pipeline_mode<synchronous>, transform_indices = @transform_16, window_bounds = array<i64: 256, 128>}, {pipeline_mode = #tpu.pipeline_mode<synchronous>, transform_indices = @transform_17, window_bounds = array<i64: 1, 128>}, {transform_indices = @transform_18, window_bounds = array<i64: 128, 128>}]} {
    %get3A = arith.constant 0 : index
    %get3A_0 = arith.constant 0 : index
    %get3A_1 = vector.load %arg2[%get3A, %get3A_0] : memref<128x128xf32, #tpu.memory_space<vmem>>, vector<128x128xf32>
    %get3A_2 = arith.constant 0 : index
    %get3A_3 = arith.constant 0 : index
    %get3A_4 = arith.constant 0 : index
    %get3A_5 = arith.constant 0 : index
    %get3A_6 = vector.load %arg3[%get3A_2, %get3A_3, %get3A_4, %get3A_5] : memref<1x30x128x128xf32, #tpu.memory_space<vmem>>, vector<1x30x128x128xf32>
    %get3A_7 = vector.shape_cast %get3A_6 : vector<1x30x128x128xf32> to vector<30x128x128xf32>
    %convert_element_type3A = arith.truncf %get3A_7 : vector<30x128x128xf32> to vector<30x128x128xbf16>
    %get3A_8 = arith.constant 0 : index
    %get3A_9 = arith.constant 0 : index
    %get3A_10 = arith.constant 0 : index
    %get3A_11 = arith.constant 0 : index
    %get3A_12 = vector.load %arg4[%get3A_8, %get3A_9, %get3A_10, %get3A_11] : memref<1x30x128x1xf32, #tpu.memory_space<vmem>>, vector<1x30x128x1xf32>
    %get3A_13 = vector.shape_cast %get3A_12 : vector<1x30x128x1xf32> to vector<30x128x1xf32>
    %convert_element_type3A_14 = arith.truncf %get3A_1 : vector<128x128xf32> to vector<128x128xbf16>
    %get3A_15 = arith.constant 0 : index
    %get3A_16 = arith.constant 0 : index
    %get3A_17 = vector.load %arg5[%get3A_15, %get3A_16] : memref<128x514xbf16, #tpu.memory_space<vmem>>, vector<128x514xbf16>
    %dot_general3A = arith.constant dense<0.000000e+00> : vector<128x514xf32>
    %dot_general3A_18 = tpu.matmul %convert_element_type3A_14, %get3A_17, %dot_general3A {dimension_numbers = #tpu.dot_dimension_numbers<[1], [0], [0], [1], [0, 0, 1, 1], [], []>, transpose_lhs_hint = false} : vector<128x128xbf16>, vector<128x514xbf16>, vector<128x514xf32> -> vector<128x514xf32>
    %get3A_19 = arith.constant 0 : index
    %get3A_20 = arith.constant 0 : index
    %get3A_21 = vector.load %arg8[%get3A_19, %get3A_20] : memref<1x514xf32, #tpu.memory_space<vmem>>, vector<1x514xf32>
    %add3A = vector.broadcast %get3A_21 : vector<1x514xf32> to vector<128x514xf32>
    %add3A_22 = arith.addf %dot_general3A_18, %add3A : vector<128x514xf32>
    %reshape3A = vector.shape_cast %convert_element_type3A : vector<30x128x128xbf16> to vector<3840x128xbf16>
    %get3A_23 = arith.constant 0 : index
    %get3A_24 = arith.constant 0 : index
    %get3A_25 = vector.load %arg6[%get3A_23, %get3A_24] : memref<128x514xbf16, #tpu.memory_space<vmem>>, vector<128x514xbf16>
    %dot_general3A_26 = arith.constant dense<0.000000e+00> : vector<3840x514xf32>
    %dot_general3A_27 = tpu.matmul %reshape3A, %get3A_25, %dot_general3A_26 {dimension_numbers = #tpu.dot_dimension_numbers<[1], [0], [0], [1], [0, 0, 1, 1], [], []>, transpose_lhs_hint = false} : vector<3840x128xbf16>, vector<128x514xbf16>, vector<3840x514xf32> -> vector<3840x514xf32>
    %reshape3A_28 = vector.shape_cast %dot_general3A_27 : vector<3840x514xf32> to vector<30x128x514xf32>
    %broadcast_in_dim3A = vector.shape_cast %add3A_22 : vector<128x514xf32> to vector<1x128x514xf32>
    %add3A_29 = vector.broadcast %broadcast_in_dim3A : vector<1x128x514xf32> to vector<30x128x514xf32>
    %add3A_30 = arith.addf %reshape3A_28, %add3A_29 : vector<30x128x514xf32>
    %get3A_31 = arith.constant 0 : index
    %get3A_32 = arith.constant 0 : index
    %get3A_33 = vector.load %arg7[%get3A_31, %get3A_32] : memref<1x514xf32, #tpu.memory_space<vmem>>, vector<1x514xf32>
    %broadcast_in_dim3A_34 = vector.shape_cast %get3A_33 : vector<1x514xf32> to vector<1x1x514xf32>
    %mul3A = vector.broadcast %get3A_13 : vector<30x128x1xf32> to vector<30x128x514xf32>
    %mul3A_35 = vector.broadcast %broadcast_in_dim3A_34 : vector<1x1x514xf32> to vector<30x128x514xf32>
    %mul3A_36 = arith.mulf %mul3A, %mul3A_35 : vector<30x128x514xf32>
    %add3A_37 = arith.addf %add3A_30, %mul3A_36 : vector<30x128x514xf32>
    %mul3A_38 = arith.constant 5.000000e-01 : f32
    %mul3A_39 = vector.broadcast %mul3A_38 : f32 to vector<30x128x514xf32>
    %mul3A_40 = arith.mulf %mul3A_39, %add3A_37 : vector<30x128x514xf32>
    %tanh3A = math.tanh %mul3A_40 : vector<30x128x514xf32>
    %mul3A_41 = arith.mulf %mul3A_40, %tanh3A : vector<30x128x514xf32>
    %add3A_42 = arith.addf %mul3A_40, %mul3A_41 : vector<30x128x514xf32>
    %reshape3A_43 = vector.shape_cast %add3A_42 : vector<30x128x514xf32> to vector<3840x514xf32>
    %get3A_44 = arith.constant 0 : index
    %get3A_45 = arith.constant 0 : index
    %get3A_46 = vector.load %arg9[%get3A_44, %get3A_45] : memref<514x16xf32, #tpu.memory_space<vmem>>, vector<514x16xf32>
    %dot_general3A_47 = arith.constant dense<0.000000e+00> : vector<3840x16xf32>
    %dot_general3A_48 = tpu.matmul %reshape3A_43, %get3A_46, %dot_general3A_47 {dimension_numbers = #tpu.dot_dimension_numbers<[1], [0], [0], [1], [0, 0, 1, 1], [], []>, transpose_lhs_hint = false} : vector<3840x514xf32>, vector<514x16xf32>, vector<3840x16xf32> -> vector<3840x16xf32>
    %get3A_49 = arith.constant 0 : index
    %get3A_50 = arith.constant 0 : index
    %get3A_51 = vector.load %arg10[%get3A_49, %get3A_50] : memref<1x16xf32, #tpu.memory_space<vmem>>, vector<1x16xf32>
    %add3A_52 = vector.broadcast %get3A_51 : vector<1x16xf32> to vector<3840x16xf32>
    %add3A_53 = arith.addf %dot_general3A_48, %add3A_52 : vector<3840x16xf32>
    %mul3A_54 = arith.constant 5.000000e-01 : f32
    %mul3A_55 = vector.broadcast %mul3A_54 : f32 to vector<3840x16xf32>
    %mul3A_56 = arith.mulf %mul3A_55, %add3A_53 : vector<3840x16xf32>
    %tanh3A_57 = math.tanh %mul3A_56 : vector<3840x16xf32>
    %mul3A_58 = arith.mulf %mul3A_56, %tanh3A_57 : vector<3840x16xf32>
    %add3A_59 = arith.addf %mul3A_56, %mul3A_58 : vector<3840x16xf32>
    %get3A_60 = arith.constant 0 : index
    %get3A_61 = arith.constant 0 : index
    %get3A_62 = vector.load %arg11[%get3A_60, %get3A_61] : memref<16x1xf32, #tpu.memory_space<vmem>>, vector<16x1xf32>
    %dot_general3A_63 = arith.constant dense<0.000000e+00> : vector<3840x1xf32>
    %dot_general3A_64 = tpu.matmul %add3A_59, %get3A_62, %dot_general3A_63 {dimension_numbers = #tpu.dot_dimension_numbers<[1], [0], [0], [1], [0, 0, 1, 1], [], []>, transpose_lhs_hint = false} : vector<3840x16xf32>, vector<16x1xf32>, vector<3840x1xf32> -> vector<3840x1xf32>
    %get3A_65 = arith.constant 0 : index
    %get3A_66 = arith.constant 0 : index
    %get3A_67 = vector.load %arg12[%get3A_65, %get3A_66] : memref<1x1xf32, #tpu.memory_space<vmem>>, vector<1x1xf32>
    %add3A_68 = vector.broadcast %get3A_67 : vector<1x1xf32> to vector<3840x1xf32>
    %add3A_69 = arith.addf %dot_general3A_64, %add3A_68 : vector<3840x1xf32>
    %mul3A_70 = arith.constant 5.000000e-01 : f32
    %mul3A_71 = vector.broadcast %mul3A_70 : f32 to vector<3840x1xf32>
    %mul3A_72 = arith.mulf %mul3A_71, %add3A_69 : vector<3840x1xf32>
    %tanh3A_73 = math.tanh %mul3A_72 : vector<3840x1xf32>
    %mul3A_74 = arith.constant 5.000000e-01 : f32
    %mul3A_75 = vector.broadcast %mul3A_74 : f32 to vector<3840x1xf32>
    %mul3A_76 = arith.mulf %mul3A_75, %tanh3A_73 : vector<3840x1xf32>
    %add3A_77 = arith.constant 5.000000e-01 : f32
    %add3A_78 = vector.broadcast %add3A_77 : f32 to vector<3840x1xf32>
    %add3A_79 = arith.addf %add3A_78, %mul3A_76 : vector<3840x1xf32>
    %mul3A_80 = vector.broadcast %add3A_79 : vector<3840x1xf32> to vector<3840x16xf32>
    %mul3A_81 = arith.mulf %add3A_59, %mul3A_80 : vector<3840x16xf32>
    %reshape3A_82 = vector.shape_cast %mul3A_81 : vector<3840x16xf32> to vector<30x128x16xf32>
    %reduce_sum3A = arith.constant dense<0.000000e+00> : vector<128x16xf32>
    %reduce_sum3A_83 = vector.multi_reduction <add>, %reshape3A_82, %reduce_sum3A [0] : vector<30x128x16xf32> to vector<128x16xf32>
    %reduce_sum3A_84 = arith.constant dense<0.000000e+00> : vector<128xf32>
    %reduce_sum3A_85 = vector.multi_reduction <add>, %get3A_1, %reduce_sum3A_84 [1] : vector<128x128xf32> to vector<128xf32>
    %broadcast_in_dim3A_86 = vector.shape_cast %reduce_sum3A_85 : vector<128xf32> to vector<128x1xf32>
    %div3A = arith.constant 1.280000e+02 : f32
    %div3A_87 = vector.broadcast %div3A : f32 to vector<128x1xf32>
    %div3A_88 = arith.divf %broadcast_in_dim3A_86, %div3A_87 : vector<128x1xf32>
    %sub3A = vector.broadcast %div3A_88 : vector<128x1xf32> to vector<128x128xf32>
    %sub3A_89 = arith.subf %get3A_1, %sub3A : vector<128x128xf32>
    %integer_pow3A = arith.mulf %sub3A_89, %sub3A_89 : vector<128x128xf32>
    %reduce_sum3A_90 = arith.constant dense<0.000000e+00> : vector<128xf32>
    %reduce_sum3A_91 = vector.multi_reduction <add>, %integer_pow3A, %reduce_sum3A_90 [1] : vector<128x128xf32> to vector<128xf32>
    %broadcast_in_dim3A_92 = vector.shape_cast %reduce_sum3A_91 : vector<128xf32> to vector<128x1xf32>
    %div3A_93 = arith.constant 1.280000e+02 : f32
    %div3A_94 = vector.broadcast %div3A_93 : f32 to vector<128x1xf32>
    %div3A_95 = arith.divf %broadcast_in_dim3A_92, %div3A_94 : vector<128x1xf32>
    %sub3A_96 = vector.broadcast %div3A_88 : vector<128x1xf32> to vector<128x128xf32>
    %sub3A_97 = arith.subf %get3A_1, %sub3A_96 : vector<128x128xf32>
    %add3A_98 = arith.constant 9.99999974E-6 : f32
    %add3A_99 = vector.broadcast %add3A_98 : f32 to vector<128x1xf32>
    %add3A_100 = arith.addf %div3A_95, %add3A_99 : vector<128x1xf32>
    %sqrt3A = math.sqrt %add3A_100 : vector<128x1xf32>
    %div3A_101 = vector.broadcast %sqrt3A : vector<128x1xf32> to vector<128x128xf32>
    %div3A_102 = arith.divf %sub3A_97, %div3A_101 : vector<128x128xf32>
    %get3A_103 = arith.constant 0 : index
    %get3A_104 = arith.constant 0 : index
    %get3A_105 = vector.load %arg13[%get3A_103, %get3A_104] : memref<1x128xf32, #tpu.memory_space<vmem>>, vector<1x128xf32>
    %mul3A_106 = vector.broadcast %get3A_105 : vector<1x128xf32> to vector<128x128xf32>
    %mul3A_107 = arith.mulf %div3A_102, %mul3A_106 : vector<128x128xf32>
    %get3A_108 = arith.constant 0 : index
    %get3A_109 = arith.constant 0 : index
    %get3A_110 = vector.load %arg14[%get3A_108, %get3A_109] : memref<1x128xf32, #tpu.memory_space<vmem>>, vector<1x128xf32>
    %add3A_111 = vector.broadcast %get3A_110 : vector<1x128xf32> to vector<128x128xf32>
    %add3A_112 = arith.addf %mul3A_107, %add3A_111 : vector<128x128xf32>
    %get3A_113 = arith.constant 0 : index
    %get3A_114 = arith.constant 0 : index
    %get3A_115 = vector.load %arg15[%get3A_113, %get3A_114] : memref<128x256xf32, #tpu.memory_space<vmem>>, vector<128x256xf32>
    %dot_general3A_116 = arith.constant dense<0.000000e+00> : vector<128x256xf32>
    %dot_general3A_117 = tpu.matmul %add3A_112, %get3A_115, %dot_general3A_116 {dimension_numbers = #tpu.dot_dimension_numbers<[1], [0], [0], [1], [0, 0, 1, 1], [], []>, transpose_lhs_hint = false} : vector<128x128xf32>, vector<128x256xf32>, vector<128x256xf32> -> vector<128x256xf32>
    %get3A_118 = arith.constant 0 : index
    %get3A_119 = arith.constant 0 : index
    %get3A_120 = vector.load %arg16[%get3A_118, %get3A_119] : memref<16x256xf32, #tpu.memory_space<vmem>>, vector<16x256xf32>
    %dot_general3A_121 = arith.constant dense<0.000000e+00> : vector<128x256xf32>
    %dot_general3A_122 = tpu.matmul %reduce_sum3A_83, %get3A_120, %dot_general3A_121 {dimension_numbers = #tpu.dot_dimension_numbers<[1], [0], [0], [1], [0, 0, 1, 1], [], []>, transpose_lhs_hint = false} : vector<128x16xf32>, vector<16x256xf32>, vector<128x256xf32> -> vector<128x256xf32>
    %add3A_123 = arith.addf %dot_general3A_117, %dot_general3A_122 : vector<128x256xf32>
    %get3A_124 = arith.constant 0 : index
    %get3A_125 = arith.constant 0 : index
    %get3A_126 = vector.load %arg17[%get3A_124, %get3A_125] : memref<1x256xf32, #tpu.memory_space<vmem>>, vector<1x256xf32>
    %add3A_127 = vector.broadcast %get3A_126 : vector<1x256xf32> to vector<128x256xf32>
    %add3A_128 = arith.addf %add3A_123, %add3A_127 : vector<128x256xf32>
    %mul3A_129 = arith.constant 5.000000e-01 : f32
    %mul3A_130 = vector.broadcast %mul3A_129 : f32 to vector<128x256xf32>
    %mul3A_131 = arith.mulf %mul3A_130, %add3A_128 : vector<128x256xf32>
    %tanh3A_132 = math.tanh %mul3A_131 : vector<128x256xf32>
    %mul3A_133 = arith.mulf %mul3A_131, %tanh3A_132 : vector<128x256xf32>
    %add3A_134 = arith.addf %mul3A_131, %mul3A_133 : vector<128x256xf32>
    %get3A_135 = arith.constant 0 : index
    %get3A_136 = arith.constant 0 : index
    %get3A_137 = vector.load %arg18[%get3A_135, %get3A_136] : memref<256x128xf32, #tpu.memory_space<vmem>>, vector<256x128xf32>
    %dot_general3A_138 = arith.constant dense<0.000000e+00> : vector<128x128xf32>
    %dot_general3A_139 = tpu.matmul %add3A_134, %get3A_137, %dot_general3A_138 {dimension_numbers = #tpu.dot_dimension_numbers<[1], [0], [0], [1], [0, 0, 1, 1], [], []>, transpose_lhs_hint = false} : vector<128x256xf32>, vector<256x128xf32>, vector<128x128xf32> -> vector<128x128xf32>
    %get3A_140 = arith.constant 0 : index
    %get3A_141 = arith.constant 0 : index
    %get3A_142 = vector.load %arg19[%get3A_140, %get3A_141] : memref<1x128xf32, #tpu.memory_space<vmem>>, vector<1x128xf32>
    %add3A_143 = vector.broadcast %get3A_142 : vector<1x128xf32> to vector<128x128xf32>
    %add3A_144 = arith.addf %dot_general3A_139, %add3A_143 : vector<128x128xf32>
    %add3A_145 = arith.addf %add3A_144, %get3A_1 : vector<128x128xf32>
    %swap3A = arith.constant 0 : index
    %swap3A_146 = arith.constant 0 : index
    %swap3A_147 = vector.load %arg20[%swap3A, %swap3A_146] : memref<128x128xf32, #tpu.memory_space<vmem>>, vector<128x128xf32>
    tpu.vector_store %arg20[%swap3A, %swap3A_146], %add3A_145 {strides = array<i32>} : memref<128x128xf32, #tpu.memory_space<vmem>>, vector<128x128xf32>,
    return
  }
  func.func @transform_0(%arg0: i32, %arg1: i32) -> (i32, i32) {
    %mul3A = arith.constant 16 : i32
    %mul3A_0 = arith.muli %arg0, %mul3A : i32
    %add3A = arith.addi %mul3A_0, %arg1 : i32
    %c0_i32 = arith.constant 0 : i32
    %c0_i32_1 = arith.constant 0 : i32
    return %add3A, %c0_i32 : i32, i32
  }
  func.func @transform_1(%arg0: i32, %arg1: i32) -> (i32, i32, i32, i32) {
    %mul3A = arith.constant 16 : i32
    %mul3A_0 = arith.muli %arg0, %mul3A : i32
    %add3A = arith.addi %mul3A_0, %arg1 : i32
    %c0_i32 = arith.constant 0 : i32
    %c0_i32_1 = arith.constant 0 : i32
    %c0_i32_2 = arith.constant 0 : i32
    %c0_i32_3 = arith.constant 0 : i32
    return %add3A, %c0_i32, %c0_i32_1, %c0_i32_2 : i32, i32, i32, i32
  }
  func.func @transform_2(%arg0: i32, %arg1: i32) -> (i32, i32, i32, i32) {
    %mul3A = arith.constant 16 : i32
    %mul3A_0 = arith.muli %arg0, %mul3A : i32
    %add3A = arith.addi %mul3A_0, %arg1 : i32
    %c0_i32 = arith.constant 0 : i32
    %c0_i32_1 = arith.constant 0 : i32
    %c0_i32_2 = arith.constant 0 : i32
    %c0_i32_3 = arith.constant 0 : i32
    return %add3A, %c0_i32, %c0_i32_1, %c0_i32_2 : i32, i32, i32, i32
  }
  func.func @transform_3(%arg0: i32, %arg1: i32) -> (i32, i32) {
    %c0_i32 = arith.constant 0 : i32
    %c0_i32_0 = arith.constant 0 : i32
    %c0_i32_1 = arith.constant 0 : i32
    return %c0_i32, %c0_i32_0 : i32, i32
  }
  func.func @transform_4(%arg0: i32, %arg1: i32) -> (i32, i32) {
    %c0_i32 = arith.constant 0 : i32
    %c0_i32_0 = arith.constant 0 : i32
    %c0_i32_1 = arith.constant 0 : i32
    return %c0_i32, %c0_i32_0 : i32, i32
  }
  func.func @transform_5(%arg0: i32, %arg1: i32) -> (i32, i32) {
    %c0_i32 = arith.constant 0 : i32
    %c0_i32_0 = arith.constant 0 : i32
    %c0_i32_1 = arith.constant 0 : i32
    return %c0_i32, %c0_i32_0 : i32, i32
  }
  func.func @transform_6(%arg0: i32, %arg1: i32) -> (i32, i32) {
    %c0_i32 = arith.constant 0 : i32
    %c0_i32_0 = arith.constant 0 : i32
    %c0_i32_1 = arith.constant 0 : i32
    return %c0_i32, %c0_i32_0 : i32, i32
  }
  func.func @transform_7(%arg0: i32, %arg1: i32) -> (i32, i32) {
    %c0_i32 = arith.constant 0 : i32
    %c0_i32_0 = arith.constant 0 : i32
    %c0_i32_1 = arith.constant 0 : i32
    return %c0_i32, %c0_i32_0 : i32, i32
  }
  func.func @transform_8(%arg0: i32, %arg1: i32) -> (i32, i32) {
    %c0_i32 = arith.constant 0 : i32
    %c0_i32_0 = arith.constant 0 : i32
    %c0_i32_1 = arith.constant 0 : i32
    return %c0_i32, %c0_i32_0 : i32, i32
  }
  func.func @transform_9(%arg0: i32, %arg1: i32) -> (i32, i32) {
    %c0_i32 = arith.constant 0 : i32
    %c0_i32_0 = arith.constant 0 : i32
    %c0_i32_1 = arith.constant 0 : i32
    return %c0_i32, %c0_i32_0 : i32, i32
  }
  func.func @transform_10(%arg0: i32, %arg1: i32) -> (i32, i32) {
    %c0_i32 = arith.constant 0 : i32
    %c0_i32_0 = arith.constant 0 : i32
    %c0_i32_1 = arith.constant 0 : i32
    return %c0_i32, %c0_i32_0 : i32, i32
  }
  func.func @transform_11(%arg0: i32, %arg1: i32) -> (i32, i32) {
    %c0_i32 = arith.constant 0 : i32
    %c0_i32_0 = arith.constant 0 : i32
    %c0_i32_1 = arith.constant 0 : i32
    return %c0_i32, %c0_i32_0 : i32, i32
  }
  func.func @transform_12(%arg0: i32, %arg1: i32) -> (i32, i32) {
    %c0_i32 = arith.constant 0 : i32
    %c0_i32_0 = arith.constant 0 : i32
    %c0_i32_1 = arith.constant 0 : i32
    return %c0_i32, %c0_i32_0 : i32, i32
  }
  func.func @transform_13(%arg0: i32, %arg1: i32) -> (i32, i32) {
    %c0_i32 = arith.constant 0 : i32
    %c0_i32_0 = arith.constant 0 : i32
    %c0_i32_1 = arith.constant 0 : i32
    return %c0_i32, %c0_i32_0 : i32, i32
  }
  func.func @transform_14(%arg0: i32, %arg1: i32) -> (i32, i32) {
    %c0_i32 = arith.constant 0 : i32
    %c0_i32_0 = arith.constant 0 : i32
    %c0_i32_1 = arith.constant 0 : i32
    return %c0_i32, %c0_i32_0 : i32, i32
  }
  func.func @transform_15(%arg0: i32, %arg1: i32) -> (i32, i32) {
    %c0_i32 = arith.constant 0 : i32
    %c0_i32_0 = arith.constant 0 : i32
    %c0_i32_1 = arith.constant 0 : i32
    return %c0_i32, %c0_i32_0 : i32, i32
  }
  func.func @transform_16(%arg0: i32, %arg1: i32) -> (i32, i32) {
    %c0_i32 = arith.constant 0 : i32
    %c0_i32_0 = arith.constant 0 : i32
    %c0_i32_1 = arith.constant 0 : i32
    return %c0_i32, %c0_i32_0 : i32, i32
  }
  func.func @transform_17(%arg0: i32, %arg1: i32) -> (i32, i32) {
    %c0_i32 = arith.constant 0 : i32
    %c0_i32_0 = arith.constant 0 : i32
    %c0_i32_1 = arith.constant 0 : i32
    return %c0_i32, %c0_i32_0 : i32, i32
  }
  func.func @transform_18(%arg0: i32, %arg1: i32) -> (i32, i32) {
    %mul3A = arith.constant 16 : i32
    %mul3A_0 = arith.muli %arg0, %mul3A : i32
    %add3A = arith.addi %mul3A_0, %arg1 : i32
    %c0_i32 = arith.constant 0 : i32
    %c0_i32_1 = arith.constant 0 : i32
    return %add3A, %c0_i32 : i32, i32
  }
}

module attributes {stable_mosaic.version = 14 : i64} {
  func.func @_layer_body(%arg0: i32, %arg1: i32, %arg2: memref<128x128xf32, #tpu.memory_space<vmem>>, %arg3: memref<1x30x128x128xf32, #tpu.memory_space<vmem>>, %arg4: memref<1x30x128x1xf32, #tpu.memory_space<vmem>>, %arg5: memref<128x514xbf16, #tpu.memory_space<vmem>>, %arg6: memref<128x514xbf16, #tpu.memory_space<vmem>>, %arg7: memref<1x514xf32, #tpu.memory_space<vmem>>, %arg8: memref<1x514xf32, #tpu.memory_space<vmem>>, %arg9: memref<514x16xf32, #tpu.memory_space<vmem>>, %arg10: memref<1x16xf32, #tpu.memory_space<vmem>>, %arg11: memref<16x1xf32, #tpu.memory_space<vmem>>, %arg12: memref<1x1xf32, #tpu.memory_space<vmem>>, %arg13: memref<1x128xf32, #tpu.memory_space<vmem>>, %arg14: memref<1x128xf32, #tpu.memory_space<vmem>>, %arg15: memref<128x256xf32, #tpu.memory_space<vmem>>, %arg16: memref<16x256xf32, #tpu.memory_space<vmem>>, %arg17: memref<1x256xf32, #tpu.memory_space<vmem>>, %arg18: memref<256x128xf32, #tpu.memory_space<vmem>>, %arg19: memref<1x128xf32, #tpu.memory_space<vmem>>, %arg20: memref<128x128xf32, #tpu.memory_space<vmem>>) attributes {dimension_semantics = [#tpu.dimension_semantics<parallel>, #tpu.dimension_semantics<parallel>], iteration_bounds = array<i64: 2, 16>, scalar_prefetch = 0 : i64, scratch_operands = 0 : i64, tpu.core_type = #tpu.core_type<tc>, window_params = [{transform_indices = @transform_0, window_bounds = array<i64: 128, 128>}, {transform_indices = @transform_1, window_bounds = array<i64: 1, 30, 128, 128>}, {transform_indices = @transform_2, window_bounds = array<i64: 1, 30, 128, 1>}, {pipeline_mode = #tpu.pipeline_mode<synchronous>, transform_indices = @transform_3, window_bounds = array<i64: 128, 514>}, {pipeline_mode = #tpu.pipeline_mode<synchronous>, transform_indices = @transform_4, window_bounds = array<i64: 128, 514>}, {pipeline_mode = #tpu.pipeline_mode<synchronous>, transform_indices = @transform_5, window_bounds = array<i64: 1, 514>}, {pipeline_mode = #tpu.pipeline_mode<synchronous>, transform_indices = @transform_6, window_bounds = array<i64: 1, 514>}, {pipeline_mode = #tpu.pipeline_mode<synchronous>, transform_indices = @transform_7, window_bounds = array<i64: 514, 16>}, {pipeline_mode = #tpu.pipeline_mode<synchronous>, transform_indices = @transform_8, window_bounds = array<i64: 1, 16>}, {pipeline_mode = #tpu.pipeline_mode<synchronous>, transform_indices = @transform_9, window_bounds = array<i64: 16, 1>}, {pipeline_mode = #tpu.pipeline_mode<synchronous>, transform_indices = @transform_10, window_bounds = array<i64: 1, 1>}, {pipeline_mode = #tpu.pipeline_mode<synchronous>, transform_indices = @transform_11, window_bounds = array<i64: 1, 128>}, {pipeline_mode = #tpu.pipeline_mode<synchronous>, transform_indices = @transform_12, window_bounds = array<i64: 1, 128>}, {pipeline_mode = #tpu.pipeline_mode<synchronous>, transform_indices = @transform_13, window_bounds = array<i64: 128, 256>}, {pipeline_mode = #tpu.pipeline_mode<synchronous>, transform_indices = @transform_14, window_bounds = array<i64: 16, 256>}, {pipeline_mode = #tpu.pipeline_mode<synchronous>, transform_indices = @transform_15, window_bounds = array<i64: 1, 256>}, {pipeline_mode = #tpu.pipeline_mode<synchronous>, transform_indices = @transform_16, window_bounds = array<i64: 256, 128>}, {pipeline_mode = #tpu.pipeline_mode<synchronous>, transform_indices = @transform_17, window_bounds = array<i64: 1, 128>}, {transform_indices = @transform_18, window_bounds = array<i64: 128, 128>}]} {
    %get3A = arith.constant 0 : index
    %get3A_0 = arith.constant 0 : index
    %get3A_1 = vector.load %arg2[%get3A, %get3A_0] : memref<128x128xf32, #tpu.memory_space<vmem>>, vector<128x128xf32>
    %get3A_2 = arith.constant 0 : index
    %get3A_3 = arith.constant 0 : index
    %get3A_4 = arith.constant 0 : index
    %get3A_5 = arith.constant 0 : index
    %get3A_6 = vector.load %arg3[%get3A_2, %get3A_3, %get3A_4, %get3A_5] : memref<1x30x128x128xf32, #tpu.memory_space<vmem>>, vector<1x30x128x128xf32>
    %get3A_7 = vector.shape_cast %get3A_6 : vector<1x30x128x128xf32> to vector<30x128x128xf32>
    %convert_element_type3A = arith.truncf %get3A_7 : vector<30x128x128xf32> to vector<30x128x128xbf16>
    %get3A_8 = arith.constant 0 : index
    %get3A_9 = arith.constant 0 : index
    %get3A_10 = arith.constant 0 : index
    %get3A_11 = arith.constant 0 : index
    %get3A_12 = vector.load %arg4[%get3A_8, %get3A_9, %get3A_10, %get3A_11] : memref<1x30x128x1xf32, #tpu.memory_space<vmem>>, vector<1x30x128x1xf32>
    %get3A_13 = vector.shape_cast %get3A_12 : vector<1x30x128x1xf32> to vector<30x128x1xf32>
    %convert_element_type3A_14 = arith.truncf %get3A_1 : vector<128x128xf32> to vector<128x128xbf16>
    %get3A_15 = arith.constant 0 : index
    %get3A_16 = arith.constant 0 : index
    %get3A_17 = vector.load %arg5[%get3A_15, %get3A_16] : memref<128x514xbf16, #tpu.memory_space<vmem>>, vector<128x514xbf16>
    %dot_general3A = arith.constant dense<0.000000e+00> : vector<128x514xf32>
    %dot_general3A_18 = tpu.matmul %convert_element_type3A_14, %get3A_17, %dot_general3A {dimension_numbers = #tpu.dot_dimension_numbers<[1], [0], [0], [1], [0, 0, 1, 1], [], []>, transpose_lhs_hint = false} : vector<128x128xbf16>, vector<128x514xbf16>, vector<128x514xf32> -> vector<128x514xf32>
    %get3A_19 = arith.constant 0 : index
    %get3A_20 = arith.constant 0 : index
    %get3A_21 = vector.load %arg8[%get3A_19, %get3A_20] : memref<1x514xf32, #tpu.memory_space<vmem>>, vector<1x514xf32>
    %add3A = vector.broadcast %get3A_21 : vector<1x514xf32> to vector<128x514xf32>
    %add3A_22 = arith.addf %dot_general3A_18, %add3A : vector<128x514xf32>
    %reshape3A = vector.shape_cast %convert_element_type3A : vector<30x128x128xbf16> to vector<3840x128xbf16>
    %get3A_23 = arith.constant 0 : index
    %get3A_24 = arith.constant 0 : index
    %get3A_25 = vector.load %arg6[%get3A_23, %get3A_24] : memref<128x514xbf16, #tpu.memory_space<vmem>>, vector<128x514xbf16>
    %dot_general3A_26 = arith.constant dense<0.000000e+00> : vector<3840x514xf32>
    %dot_general3A_27 = tpu.matmul %reshape3A, %get3A_25, %dot_general3A_26 {dimension_numbers = #tpu.dot_dimension_numbers<[1], [0], [0], [1], [0, 0, 1, 1], [], []>, transpose_lhs_hint = false} : vector<3840x128xbf16>, vector<128x514xbf16>, vector<3840x514xf32> -> vector<3840x514xf32>
    %reshape3A_28 = vector.shape_cast %dot_general3A_27 : vector<3840x514xf32> to vector<30x128x514xf32>
    %broadcast_in_dim3A = vector.shape_cast %add3A_22 : vector<128x514xf32> to vector<1x128x514xf32>
    %add3A_29 = vector.broadcast %broadcast_in_dim3A : vector<1x128x514xf32> to vector<30x128x514xf32>
    %add3A_30 = arith.addf %reshape3A_28, %add3A_29 : vector<30x128x514xf32>
    %get3A_31 = arith.constant 0 : index
    %get3A_32 = arith.constant 0 : index
    %get3A_33 = vector.load %arg7[%get3A_31, %get3A_32] : memref<1x514xf32, #tpu.memory_space<vmem>>, vector<1x514xf32>
    %broadcast_in_dim3A_34 = vector.shape_cast %get3A_33 : vector<1x514xf32> to vector<1x1x514xf32>
    %mul3A = vector.broadcast %get3A_13 : vector<30x128x1xf32> to vector<30x128x514xf32>
    %mul3A_35 = vector.broadcast %broadcast_in_dim3A_34 : vector<1x1x514xf32> to vector<30x128x514xf32>
    %mul3A_36 = arith.mulf %mul3A, %mul3A_35 : vector<30x128x514xf32>
    %add3A_37 = arith.addf %add3A_30, %mul3A_36 : vector<30x128x514xf32>
    %mul3A_38 = arith.constant 5.000000e-01 : f32
    %mul3A_39 = vector.broadcast %mul3A_38 : f32 to vector<30x128x514xf32>
    %mul3A_40 = arith.mulf %mul3A_39, %add3A_37 : vector<30x128x514xf32>
    %tanh3A = math.tanh %mul3A_40 : vector<30x128x514xf32>
    %mul3A_41 = arith.mulf %mul3A_40, %tanh3A : vector<30x128x514xf32>
    %add3A_42 = arith.addf %mul3A_40, %mul3A_41 : vector<30x128x514xf32>
    %reshape3A_43 = vector.shape_cast %add3A_42 : vector<30x128x514xf32> to vector<3840x514xf32>
    %get3A_44 = arith.constant 0 : index
    %get3A_45 = arith.constant 0 : index
    %get3A_46 = vector.load %arg9[%get3A_44, %get3A_45] : memref<514x16xf32, #tpu.memory_space<vmem>>, vector<514x16xf32>
    %dot_general3A_47 = arith.constant dense<0.000000e+00> : vector<3840x16xf32>
    %dot_general3A_48 = tpu.matmul %reshape3A_43, %get3A_46, %dot_general3A_47 {dimension_numbers = #tpu.dot_dimension_numbers<[1], [0], [0], [1], [0, 0, 1, 1], [], []>, transpose_lhs_hint = false} : vector<3840x514xf32>, vector<514x16xf32>, vector<3840x16xf32> -> vector<3840x16xf32>
    %get3A_49 = arith.constant 0 : index
    %get3A_50 = arith.constant 0 : index
    %get3A_51 = vector.load %arg10[%get3A_49, %get3A_50] : memref<1x16xf32, #tpu.memory_space<vmem>>, vector<1x16xf32>
    %add3A_52 = vector.broadcast %get3A_51 : vector<1x16xf32> to vector<3840x16xf32>
    %add3A_53 = arith.addf %dot_general3A_48, %add3A_52 : vector<3840x16xf32>
    %mul3A_54 = arith.constant 5.000000e-01 : f32
    %mul3A_55 = vector.broadcast %mul3A_54 : f32 to vector<3840x16xf32>
    %mul3A_56 = arith.mulf %mul3A_55, %add3A_53 : vector<3840x16xf32>
    %tanh3A_57 = math.tanh %mul3A_56 : vector<3840x16xf32>
    %mul3A_58 = arith.mulf %mul3A_56, %tanh3A_57 : vector<3840x16xf32>
    %add3A_59 = arith.addf %mul3A_56, %mul3A_58 : vector<3840x16xf32>
    %get3A_60 = arith.constant 0 : index
    %get3A_61 = arith.constant 0 : index
    %get3A_62 = vector.load %arg11[%get3A_60, %get3A_61] : memref<16x1xf32, #tpu.memory_space<vmem>>, vector<16x1xf32>
    %dot_general3A_63 = arith.constant dense<0.000000e+00> : vector<3840x1xf32>
    %dot_general3A_64 = tpu.matmul %add3A_59, %get3A_62, %dot_general3A_63 {dimension_numbers = #tpu.dot_dimension_numbers<[1], [0], [0], [1], [0, 0, 1, 1], [], []>, transpose_lhs_hint = false} : vector<3840x16xf32>, vector<16x1xf32>, vector<3840x1xf32> -> vector<3840x1xf32>
    %get3A_65 = arith.constant 0 : index
    %get3A_66 = arith.constant 0 : index
    %get3A_67 = vector.load %arg12[%get3A_65, %get3A_66] : memref<1x1xf32, #tpu.memory_space<vmem>>, vector<1x1xf32>
    %add3A_68 = vector.broadcast %get3A_67 : vector<1x1xf32> to vector<3840x1xf32>
    %add3A_69 = arith.addf %dot_general3A_64, %add3A_68 : vector<3840x1xf32>
    %mul3A_70 = arith.constant 5.000000e-01 : f32
    %mul3A_71 = vector.broadcast %mul3A_70 : f32 to vector<3840x1xf32>
    %mul3A_72 = arith.mulf %mul3A_71, %add3A_69 : vector<3840x1xf32>
    %tanh3A_73 = math.tanh %mul3A_72 : vector<3840x1xf32>
    %mul3A_74 = arith.constant 5.000000e-01 : f32
    %mul3A_75 = vector.broadcast %mul3A_74 : f32 to vector<3840x1xf32>
    %mul3A_76 = arith.mulf %mul3A_75, %tanh3A_73 : vector<3840x1xf32>
    %add3A_77 = arith.constant 5.000000e-01 : f32
    %add3A_78 = vector.broadcast %add3A_77 : f32 to vector<3840x1xf32>
    %add3A_79 = arith.addf %add3A_78, %mul3A_76 : vector<3840x1xf32>
    %mul3A_80 = vector.broadcast %add3A_79 : vector<3840x1xf32> to vector<3840x16xf32>
    %mul3A_81 = arith.mulf %add3A_59, %mul3A_80 : vector<3840x16xf32>
    %reshape3A_82 = vector.shape_cast %mul3A_81 : vector<3840x16xf32> to vector<30x128x16xf32>
    %reduce_sum3A = arith.constant dense<0.000000e+00> : vector<128x16xf32>
    %reduce_sum3A_83 = vector.multi_reduction <add>, %reshape3A_82, %reduce_sum3A [0] : vector<30x128x16xf32> to vector<128x16xf32>
    %reduce_sum3A_84 = arith.constant dense<0.000000e+00> : vector<128xf32>
    %reduce_sum3A_85 = vector.multi_reduction <add>, %get3A_1, %reduce_sum3A_84 [1] : vector<128x128xf32> to vector<128xf32>
    %broadcast_in_dim3A_86 = vector.shape_cast %reduce_sum3A_85 : vector<128xf32> to vector<128x1xf32>
    %div3A = arith.constant 1.280000e+02 : f32
    %div3A_87 = vector.broadcast %div3A : f32 to vector<128x1xf32>
    %div3A_88 = arith.divf %broadcast_in_dim3A_86, %div3A_87 : vector<128x1xf32>
    %sub3A = vector.broadcast %div3A_88 : vector<128x1xf32> to vector<128x128xf32>
    %sub3A_89 = arith.subf %get3A_1, %sub3A : vector<128x128xf32>
    %integer_pow3A = arith.mulf %sub3A_89, %sub3A_89 : vector<128x128xf32>
    %reduce_sum3A_90 = arith.constant dense<0.000000e+00> : vector<128xf32>
    %reduce_sum3A_91 = vector.multi_reduction <add>, %integer_pow3A, %reduce_sum3A_90 [1] : vector<128x128xf32> to vector<128xf32>
    %broadcast_in_dim3A_92 = vector.shape_cast %reduce_sum3A_91 : vector<128xf32> to vector<128x1xf32>
    %div3A_93 = arith.constant 1.280000e+02 : f32
    %div3A_94 = vector.broadcast %div3A_93 : f32 to vector<128x1xf32>
    %div3A_95 = arith.divf %broadcast_in_dim3A_92, %div3A_94 : vector<128x1xf32>
    %sub3A_96 = vector.broadcast %div3A_88 : vector<128x1xf32> to vector<128x128xf32>
    %sub3A_97 = arith.subf %get3A_1, %sub3A_96 : vector<128x128xf32>
    %add3A_98 = arith.constant 9.99999974E-6 : f32
    %add3A_99 = vector.broadcast %add3A_98 : f32 to vector<128x1xf32>
    %add3A_100 = arith.addf %div3A_95, %add3A_99 : vector<128x1xf32>
    %sqrt3A = math.sqrt %add3A_100 : vector<128x1xf32>
    %div3A_101 = vector.broadcast %sqrt3A : vector<128x1xf32> to vector<128x128xf32>
    %div3A_102 = arith.divf %sub3A_97, %div3A_101 : vector<128x128xf32>
    %get3A_103 = arith.constant 0 : index
    %get3A_104 = arith.constant 0 : index
    %get3A_105 = vector.load %arg13[%get3A_103, %get3A_104] : memref<1x128xf32, #tpu.memory_space<vmem>>, vector<1x128xf32>
    %mul3A_106 = vector.broadcast %get3A_105 : vector<1x128xf32> to vector<128x128xf32>
    %mul3A_107 = arith.mulf %div3A_102, %mul3A_106 : vector<128x128xf32>
    %get3A_108 = arith.constant 0 : index
    %get3A_109 = arith.constant 0 : index
    %get3A_110 = vector.load %arg14[%get3A_108, %get3A_109] : memref<1x128xf32, #tpu.memory_space<vmem>>, vector<1x128xf32>
    %add3A_111 = vector.broadcast %get3A_110 : vector<1x128xf32> to vector<128x128xf32>
    %add3A_112 = arith.addf %mul3A_107, %add3A_111 : vector<128x128xf32>
    %get3A_113 = arith.constant 0 : index
    %get3A_114 = arith.constant 0 : index
    %get3A_115 = vector.load %arg15[%get3A_113, %get3A_114] : memref<128x256xf32, #tpu.memory_space<vmem>>, vector<128x256xf32>
    %dot_general3A_116 = arith.constant dense<0.000000e+00> : vector<128x256xf32>
    %dot_general3A_117 = tpu.matmul %add3A_112, %get3A_115, %dot_general3A_116 {dimension_numbers = #tpu.dot_dimension_numbers<[1], [0], [0], [1], [0, 0, 1, 1], [], []>, transpose_lhs_hint = false} : vector<128x128xf32>, vector<128x256xf32>, vector<128x256xf32> -> vector<128x256xf32>
    %get3A_118 = arith.constant 0 : index
    %get3A_119 = arith.constant 0 : index
    %get3A_120 = vector.load %arg16[%get3A_118, %get3A_119] : memref<16x256xf32, #tpu.memory_space<vmem>>, vector<16x256xf32>
    %dot_general3A_121 = arith.constant dense<0.000000e+00> : vector<128x256xf32>
    %dot_general3A_122 = tpu.matmul %reduce_sum3A_83, %get3A_120, %dot_general3A_121 {dimension_numbers = #tpu.dot_dimension_numbers<[1], [0], [0], [1], [0, 0, 1, 1], [], []>, transpose_lhs_hint = false} : vector<128x16xf32>, vector<16x256xf32>, vector<128x256xf32> -> vector<128x256xf32>
    %add3A_123 = arith.addf %dot_general3A_117, %dot_general3A_122 : vector<128x256xf32>
    %get3A_124 = arith.constant 0 : index
    %get3A_125 = arith.constant 0 : index
    %get3A_126 = vector.load %arg17[%get3A_124, %get3A_125] : memref<1x256xf32, #tpu.memory_space<vmem>>, vector<1x256xf32>
    %add3A_127 = vector.broadcast %get3A_126 : vector<1x256xf32> to vector<128x256xf32>
    %add3A_128 = arith.addf %add3A_123, %add3A_127 : vector<128x256xf32>
    %mul3A_129 = arith.constant 5.000000e-01 : f32
    %mul3A_130 = vector.broadcast %mul3A_129 : f32 to vector<128x256xf32>
    %mul3A_131 = arith.mulf %mul3A_130, %add3A_128 : vector<128x256xf32>
    %tanh3A_132 = math.tanh %mul3A_131 : vector<128x256xf32>
    %mul3A_133 = arith.mulf %mul3A_131, %tanh3A_132 : vector<128x256xf32>
    %add3A_134 = arith.addf %mul3A_131, %mul3A_133 : vector<128x256xf32>
    %get3A_135 = arith.constant 0 : index
    %get3A_136 = arith.constant 0 : index
    %get3A_137 = vector.load %arg18[%get3A_135, %get3A_136] : memref<256x128xf32, #tpu.memory_space<vmem>>, vector<256x128xf32>
    %dot_general3A_138 = arith.constant dense<0.000000e+00> : vector<128x128xf32>
    %dot_general3A_139 = tpu.matmul %add3A_134, %get3A_137, %dot_general3A_138 {dimension_numbers = #tpu.dot_dimension_numbers<[1], [0], [0], [1], [0, 0, 1, 1], [], []>, transpose_lhs_hint = false} : vector<128x256xf32>, vector<256x128xf32>, vector<128x128xf32> -> vector<128x128xf32>
    %get3A_140 = arith.constant 0 : index
    %get3A_141 = arith.constant 0 : index
    %get3A_142 = vector.load %arg19[%get3A_140, %get3A_141] : memref<1x128xf32, #tpu.memory_space<vmem>>, vector<1x128xf32>
    %add3A_143 = vector.broadcast %get3A_142 : vector<1x128xf32> to vector<128x128xf32>
    %add3A_144 = arith.addf %dot_general3A_139, %add3A_143 : vector<128x128xf32>
    %add3A_145 = arith.addf %add3A_144, %get3A_1 : vector<128x128xf32>
    %swap3A = arith.constant 0 : index
    %swap3A_146 = arith.constant 0 : index
    %swap3A_147 = vector.load %arg20[%swap3A, %swap3A_146] : memref<128x128xf32, #tpu.memory_space<vmem>>, vector<128x128xf32>
    tpu.vector_store %arg20[%swap3A, %swap3A_146], %add3A_145 {strides = array<i32>} : memref<128x128xf32, #tpu.memory_space<vmem>>, vector<128x128xf32>,
    return
  }
  func.func @transform_0(%arg0: i32, %arg1: i32) -> (i32, i32) {
    %mul3A = arith.constant 16 : i32
    %mul3A_0 = arith.muli %arg0, %mul3A : i32
    %add3A = arith.addi %mul3A_0, %arg1 : i32
    %c0_i32 = arith.constant 0 : i32
    %c0_i32_1 = arith.constant 0 : i32
    return %add3A, %c0_i32 : i32, i32
  }
  func.func @transform_1(%arg0: i32, %arg1: i32) -> (i32, i32, i32, i32) {
    %mul3A = arith.constant 16 : i32
    %mul3A_0 = arith.muli %arg0, %mul3A : i32
    %add3A = arith.addi %mul3A_0, %arg1 : i32
    %c0_i32 = arith.constant 0 : i32
    %c0_i32_1 = arith.constant 0 : i32
    %c0_i32_2 = arith.constant 0 : i32
    %c0_i32_3 = arith.constant 0 : i32
    return %add3A, %c0_i32, %c0_i32_1, %c0_i32_2 : i32, i32, i32, i32
  }
  func.func @transform_2(%arg0: i32, %arg1: i32) -> (i32, i32, i32, i32) {
    %mul3A = arith.constant 16 : i32
    %mul3A_0 = arith.muli %arg0, %mul3A : i32
    %add3A = arith.addi %mul3A_0, %arg1 : i32
    %c0_i32 = arith.constant 0 : i32
    %c0_i32_1 = arith.constant 0 : i32
    %c0_i32_2 = arith.constant 0 : i32
    %c0_i32_3 = arith.constant 0 : i32
    return %add3A, %c0_i32, %c0_i32_1, %c0_i32_2 : i32, i32, i32, i32
  }
  func.func @transform_3(%arg0: i32, %arg1: i32) -> (i32, i32) {
    %c0_i32 = arith.constant 0 : i32
    %c0_i32_0 = arith.constant 0 : i32
    %c0_i32_1 = arith.constant 0 : i32
    return %c0_i32, %c0_i32_0 : i32, i32
  }
  func.func @transform_4(%arg0: i32, %arg1: i32) -> (i32, i32) {
    %c0_i32 = arith.constant 0 : i32
    %c0_i32_0 = arith.constant 0 : i32
    %c0_i32_1 = arith.constant 0 : i32
    return %c0_i32, %c0_i32_0 : i32, i32
  }
  func.func @transform_5(%arg0: i32, %arg1: i32) -> (i32, i32) {
    %c0_i32 = arith.constant 0 : i32
    %c0_i32_0 = arith.constant 0 : i32
    %c0_i32_1 = arith.constant 0 : i32
    return %c0_i32, %c0_i32_0 : i32, i32
  }
  func.func @transform_6(%arg0: i32, %arg1: i32) -> (i32, i32) {
    %c0_i32 = arith.constant 0 : i32
    %c0_i32_0 = arith.constant 0 : i32
    %c0_i32_1 = arith.constant 0 : i32
    return %c0_i32, %c0_i32_0 : i32, i32
  }
  func.func @transform_7(%arg0: i32, %arg1: i32) -> (i32, i32) {
    %c0_i32 = arith.constant 0 : i32
    %c0_i32_0 = arith.constant 0 : i32
    %c0_i32_1 = arith.constant 0 : i32
    return %c0_i32, %c0_i32_0 : i32, i32
  }
  func.func @transform_8(%arg0: i32, %arg1: i32) -> (i32, i32) {
    %c0_i32 = arith.constant 0 : i32
    %c0_i32_0 = arith.constant 0 : i32
    %c0_i32_1 = arith.constant 0 : i32
    return %c0_i32, %c0_i32_0 : i32, i32
  }
  func.func @transform_9(%arg0: i32, %arg1: i32) -> (i32, i32) {
    %c0_i32 = arith.constant 0 : i32
    %c0_i32_0 = arith.constant 0 : i32
    %c0_i32_1 = arith.constant 0 : i32
    return %c0_i32, %c0_i32_0 : i32, i32
  }
  func.func @transform_10(%arg0: i32, %arg1: i32) -> (i32, i32) {
    %c0_i32 = arith.constant 0 : i32
    %c0_i32_0 = arith.constant 0 : i32
    %c0_i32_1 = arith.constant 0 : i32
    return %c0_i32, %c0_i32_0 : i32, i32
  }
  func.func @transform_11(%arg0: i32, %arg1: i32) -> (i32, i32) {
    %c0_i32 = arith.constant 0 : i32
    %c0_i32_0 = arith.constant 0 : i32
    %c0_i32_1 = arith.constant 0 : i32
    return %c0_i32, %c0_i32_0 : i32, i32
  }
  func.func @transform_12(%arg0: i32, %arg1: i32) -> (i32, i32) {
    %c0_i32 = arith.constant 0 : i32
    %c0_i32_0 = arith.constant 0 : i32
    %c0_i32_1 = arith.constant 0 : i32
    return %c0_i32, %c0_i32_0 : i32, i32
  }
  func.func @transform_13(%arg0: i32, %arg1: i32) -> (i32, i32) {
    %c0_i32 = arith.constant 0 : i32
    %c0_i32_0 = arith.constant 0 : i32
    %c0_i32_1 = arith.constant 0 : i32
    return %c0_i32, %c0_i32_0 : i32, i32
  }
  func.func @transform_14(%arg0: i32, %arg1: i32) -> (i32, i32) {
    %c0_i32 = arith.constant 0 : i32
    %c0_i32_0 = arith.constant 0 : i32
    %c0_i32_1 = arith.constant 0 : i32
    return %c0_i32, %c0_i32_0 : i32, i32
  }
  func.func @transform_15(%arg0: i32, %arg1: i32) -> (i32, i32) {
    %c0_i32 = arith.constant 0 : i32
    %c0_i32_0 = arith.constant 0 : i32
    %c0_i32_1 = arith.constant 0 : i32
    return %c0_i32, %c0_i32_0 : i32, i32
  }
  func.func @transform_16(%arg0: i32, %arg1: i32) -> (i32, i32) {
    %c0_i32 = arith.constant 0 : i32
    %c0_i32_0 = arith.constant 0 : i32
    %c0_i32_1 = arith.constant 0 : i32
    return %c0_i32, %c0_i32_0 : i32, i32
  }
  func.func @transform_17(%arg0: i32, %arg1: i32) -> (i32, i32) {
    %c0_i32 = arith.constant 0 : i32
    %c0_i32_0 = arith.constant 0 : i32
    %c0_i32_1 = arith.constant 0 : i32
    return %c0_i32, %c0_i32_0 : i32, i32
  }
  func.func @transform_18(%arg0: i32, %arg1: i32) -> (i32, i32) {
    %mul3A = arith.constant 16 : i32
    %mul3A_0 = arith.muli %arg0, %mul3A : i32
    %add3A = arith.addi %mul3A_0, %arg1 : i32
    %c0_i32 = arith.constant 0 : i32
    %c0_i32_1 = arith.constant 0 : i32
    return %add3A, %c0_i32 : i32, i32
  }
}

</mosaic_0001>

<sc_bundles>
// kernel: kernel.12.cloned.1.call-start
scs
__scs_entry_jumppad:
0x0: {  	(pc) =	sbr.rel $0x88, $3  }
0x1: {  	(tag) =	ssettag $0x0;
	lr =	simm.s32 $0x1  }
0x2: {  	[smem:$0x3F93] =	sst lr;
	_ =	strace $0xD0000000  }
0x3: {  	_ = 	snop  }
0x4: {  	_ = 	snop  }
0x5: {  	_ = 	snop  }
0x6: {  	_ = 	snop  }
0x7: {  	_ = 	snop  }
__scs_overlays_trampoline_lowered:
0x8: {  	[smem:$0x3FA2] =	sst s0  }
0x9: {  	[smem:$0x3FA3] =	sst s1  }
0xa: {  	[smem:$0x3FA4] =	sst s2  }
0xb: {  	[smem:$0x3FA5] =	sst s3  }
0xc: {  	[smem:$0x3FA6] =	sst s4  }
0xd: {  	[smem:$0x3FA7] =	sst s5  }
0xe: {  	[smem:$0x3FA8] =	sst s6  }
0xf: {  	[smem:$0x3FA9] =	sst s7  }
0x10: {  	[smem:$0x3FAA] =	sst s8  }
0x11: {  	[smem:$0x3FAB] =	sst s9;
	s0 =	simm.s32 @!p0 $0x0  }
0x12: {  	s1 =	sld [smem:$0x3F91];
	s0 =	simm.s32 @p0 $0x1  }
0x13: {  	[smem:$0x3FAC] =	sst s0;
	s0 =	simm.s32 @!p1 $0x0  }
0x14: {  	s2 =	sld [smem:$0x3F90];
	s0 =	simm.s32 @p1 $0x1  }
0x15: {  	[smem:$0x3FAD] =	sst s0;
	s0 =	simm.s32 @!p2 $0x0  }
0x16: {  	s3 =	sld [smem:$0x3FDB];
	s0 =	simm.s32 @p2 $0x1  }
0x17: {  	s4 =	simm.s32 $0x1BF5;
	[smem:$0x3FAF] =	sst s0  }
0x18: {  	s0 =	sld [smem:$0x3F92];
	_ =	swait.ge [sflag:s4], $0x0  }
0x19: {  	s7 =	sld [smem:$0x3F93]  }
0x1a: {  	s8 =	sadd.s32 $0xFFFFE003, lr  }
0x1b: {  	s9 =	sadd.s32 $0xFFFFFEF7, lr;
	s5 =	simm.s32 $0xFFFFFFFF;
	p2 =	slt.u32 s8, $0xFFFFF086  }
0x1c: {  	p1 =	slt.u32 s9, $0xF7A;
	s5 =	simm.s32 @!p2 $0x0  }
0x1d: {  	s5 =	simm.s32 @p1 $0x1;
	p0 =	seq.s32 s7, s2  }
0x1e: {  	s7 =	smul.u32 @!p0 $0xF7A, s2;
	p2 =	seq.s32 @!p0 s5, $0x0  }
0x1f: {  	s9 =	smul.u32 $0xF7A, s1;
	s8 =	simm.s32 @!p0 $0x1BF5;
	p2 =	por !p2, p0  }
0x20: {  	[sflag:s8] =	ssyncset.s32 @!p0 $0xFFFFF086;
	s6 =	sadd.s32 @!p0 s3, s7;
	s7 =	simm.s32 @!p0 $0x108  }
0x21: {  	s3 =	sadd.s32 s3, s9;
	s6 =	sadd.s32 @!p0 $0x88, s6;
	s7 =	simm.s32 @p2 $0x1082  }
0x22: {  	[simem:s7], [sflag:s8] =	dma.local @!p0 [hbm:s6], $0xF7A  }
0x23: {  	s9 =	sor.u32 $0xD0000000, s2;
	s6 =	simm.s32 $0x108;
	_ =	swait.ge @!p0 [sflag:s8], $0x0  }
0x24: {  	s3 =	sadd.s32 $0x88, s3;
	s6 =	simm.s32 @!p1 $0x1082;
	[sflag:s4] =	ssyncset.s32 $0xFFFFF086  }
0x25: {  	[simem:s6], [sflag:s4] =	dma.local [hbm:s3], $0xF7A  }
0x26: {  	[smem:$0x3F93] =	sst s1;
	(tag) =	ssettag s2;
	_ =	strace s9  }
0x27: {  	s1 =	sld [smem:$0x3FA3]  }
0x28: {  	s2 =	sld [smem:$0x3FA4]  }
0x29: {  	s4 =	sld [smem:$0x3FA6]  }
0x2a: {  	p0 =	seq.s32 s5, $0x0;
	s5 =	sld [smem:$0x3FA7]  }
0x2b: {  	s6 =	sld [smem:$0x3FA8]  }
0x2c: {  	s7 =	sld [smem:$0x3FA9]  }
0x2d: {  	s3 =	simm.s32 $0x108;
	s8 =	sld [smem:$0x3FAA]  }
0x2e: {  	s3 =	simm.s32 @!p0 $0x1082;
	s9 =	sld [smem:$0x3FAB]  }
0x2f: {  	lr =	sadd.s32 s0, s3;
	s0 =	sld [smem:$0x3FA2]  }
0x30: {  	s3 =	sld [smem:$0x3FA5]  }
0x31: {  	[smem:$0x3FAE] =	sst s10  }
0x32: {  	s10 =	sld [smem:$0x3FAC];
	_ =	sdelay $0x3  }
0x33: {  	p0 =	seq.s32 s10, $0x1;
	s10 =	sld [smem:$0x3FAE];
	_ =	sdelay $0x3  }
0x34: {  	[smem:$0x3FAE] =	sst s10  }
0x35: {  	s10 =	sld [smem:$0x3FAD];
	_ =	sdelay $0x3  }
0x36: {  	p1 =	seq.s32 s10, $0x1;
	s10 =	sld [smem:$0x3FAE];
	_ =	sdelay $0x3  }
0x37: {  	[smem:$0x3FAE] =	sst s10  }
0x38: {  	s10 =	sld [smem:$0x3FAF]  }
0x39: {  	_ = 	snop;
	(pc) =	sbr.ind lr, $3  }
0x3a: {  	_ = 	snop  }
0x3b: {  	_ = 	snop  }
0x3c: {  	p2 =	seq.s32 s10, $0x1;
	s10 =	sld [smem:$0x3FAE]  }
0x3d: {  	_ =	shalt  }
0x3e: {  	_ =	shalt  }
0x3f: {  	_ =	shalt  }
0x40: {  	_ =	shalt  }
0x41: {  	_ =	shalt  }
0x42: {  	_ =	shalt  }
0x43: {  	_ =	shalt  }
0x44: {  	_ =	shalt  }
0x45: {  	_ =	shalt  }
0x46: {  	_ =	shalt  }
0x47: {  	_ =	shalt  }
0x48: {  	_ =	shalt  }
0x49: {  	_ =	shalt  }
0x4a: {  	_ =	shalt  }
0x4b: {  	_ =	shalt  }
0x4c: {  	_ =	shalt  }
0x4d: {  	_ =	shalt  }
0x4e: {  	_ =	shalt  }
0x4f: {  	_ =	shalt  }
0x50: {  	_ =	shalt  }
0x51: {  	_ =	shalt  }
0x52: {  	_ =	shalt  }
0x53: {  	_ =	shalt  }
0x54: {  	_ =	shalt  }
0x55: {  	_ =	shalt  }
0x56: {  	_ =	shalt  }
0x57: {  	_ =	shalt  }
0x58: {  	_ =	shalt  }
0x59: {  	_ =	shalt  }
0x5a: {  	_ =	shalt  }
0x5b: {  	_ =	shalt  }
0x5c: {  	_ =	shalt  }
0x5d: {  	_ =	shalt  }
0x5e: {  	_ =	shalt  }
0x5f: {  	_ =	shalt  }
0x60: {  	_ =	shalt  }
0x61: {  	_ =	shalt  }
0x62: {  	_ =	shalt  }
0x63: {  	_ =	shalt  }
0x64: {  	_ =	shalt  }
0x65: {  	_ =	shalt  }
0x66: {  	_ =	shalt  }
0x67: {  	_ =	shalt  }
0x68: {  	_ =	shalt  }
0x69: {  	_ =	shalt  }
0x6a: {  	_ =	shalt  }
0x6b: {  	_ =	shalt  }
0x6c: {  	_ =	shalt  }
0x6d: {  	_ =	shalt  }
0x6e: {  	_ =	shalt  }
0x6f: {  	_ =	shalt  }
0x70: {  	_ =	shalt  }
0x71: {  	_ =	shalt  }
0x72: {  	_ =	shalt  }
0x73: {  	_ =	shalt  }
0x74: {  	_ =	shalt  }
0x75: {  	_ =	shalt  }
0x76: {  	_ =	shalt  }
0x77: {  	_ =	shalt  }
0x78: {  	_ =	shalt  }
0x79: {  	_ =	shalt  }
0x7a: {  	_ =	shalt  }
0x7b: {  	_ =	shalt  }
0x7c: {  	_ =	shalt  }
0x7d: {  	_ =	shalt  }
0x7e: {  	_ =	shalt  }
0x7f: {  	_ =	shalt  }
0x80: {  	_ =	shalt  }
0x81: {  	_ =	shalt  }
0x82: {  	_ =	shalt  }
0x83: {  	_ =	shalt  }
0x84: {  	_ =	shalt  }
0x85: {  	_ =	shalt  }
0x86: {  	_ =	shalt  }
0x87: {  	_ =	shalt  }
.Lfunc_end0:
.L_simem_size_0:
called_computation.1_lowered:
.L_overlay_start_0:
0x88: {  	s2 =	sld [smem:$0x3FD9]  }
0x89: {  	s3 =	sld [smem:$0x3FFE];
	_ =	sdelay $0x1  }
0x8a: {  	s1 =	srdreg.scid  }
0x8b: {  	s0 =	sand.u32 $0x1, s1  }
0x8c: {  	s17 =	sshll.u32 s0, $0xA;
	s2 =	sadd.s32 s3, s2  }
0x8d: {  	s2 =	sadd.s32 s2, s17  }
0x8e: {  	[smem:$0x3FBA] =	sst s2  }
0x8f: {  	_ = 	snop  }
0x90: {  	s2 =	sld [smem:$0x3FD0];
	(tm) =	ssettm $0x1  }
0x91: {  	s18 =	sld [smem:$0x3FFB];
	_ =	sdelay $0x3  }
0x92: {  	_ =	strace s18  }
0x93: {  	s3 =	sld [smem:$0x3FFC];
	_ =	sdelay $0x3  }
0x94: {  	_ =	strace s3  }
0x95: {  	s3 =	sld [smem:$0x3FFD];
	_ =	sdelay $0x3  }
0x96: {  	_ =	strace s3  }
0x97: {  	_ =	strace $0x8FFFFFFF  }
0x98: {  	s19 =	sld [smem:$0x3FDB];
	_ =	sdelay $0x1  }
0x99: {  	s4 =	simm.s32 $_scs_section_size  }
0x9a: {  	s5 =	simm.s32 $_size__tile_overlayer_lowered;
	s6 =	simm.s32 $_tile_overlayer_lowered  }
0x9b: {  	s22 =	simm.s32 $0x1BFF;
	s21 =	sshll.u32 s6, $0x1;
	s3 =	sadd.s32 s4, s19  }
0x9c: {  	s7 =	simm.s32 $0x0;
	s20 =	sshll.u32 s5, $0x1;
	s5 =	sadd.s32 s21, s3  }
0x9d: {  	[timem:s7], [sflag:s22] =	dma.local [hbm:s5], s20  }
0x9e: {  	_ =	swait.ge [sflag:s22], s20  }
0x9f: {  	s4 =	ssub.s32 $0x0, s20;
	[sflag:s22] =	ssyncset.done $0x0  }
0xa0: {  	[sflag:s22] =	ssyncadd.s32 s4;
	_ =	sdelay $0x1  }
0xa1: {  	s23 =	simm.s32 $0x1B8B  }
0xa2: {  	_ =	swait.ge [sflag:s23], $0x1  }
0xa3: {  	[sflag:s23] =	ssyncset.done $0x0  }
0xa4: {  	s25 =	simm.s32 $0x1B8E;
	s24 =	sld [smem:$0x3FFE];
	[sflag:s23] =	ssyncadd.s32 $0xFFFFFFFF  }
0xa5: {  	s26 =	simm.s32 $execute0_lowered;
	[smem:$0x3FD2] =	sst s25  }
0xa6: {  	s5 =	sshll.u32 s26, $0x1;
	_ =	strace $0x80000049;
	[dreg:$0x1] =	wrdreg $0xFFFFFFFF  }
0xa7: {  	s28 =	simm.s32 $_size_execute0_lowered;
	s3 =	sadd.s32 s3, s5;
	[dreg:$0x0] =	wrdreg $0x0  }
0xa8: {  	s5 =	sshll.u32 s28, $0x1;
	[dreg:$0x2] =	wrdreg s3  }
0xa9: {  	[dreg:$0x3] =	wrdreg s5  }
0xaa: {  	[dreg:$0x4] =	wrdreg $0xC0  }
0xab: {  	_ =	task [dreg:s7], $0x5FFFF  }
0xac: {  	[dreg:$0x1] =	wrdreg $0xFFFFFFFF  }
0xad: {  	[dreg:$0x0] =	wrdreg $0x60  }
0xae: {  	[dreg:$0x2] =	wrdreg s2  }
0xaf: {  	[dreg:$0x3] =	wrdreg s24  }
0xb0: {  	[dreg:$0x4] =	wrdreg $0x9  }
0xb1: {  	_ =	task.clear_ibuf [dreg:s7], $0x5FFFF;
	_ =	strace $0x90000049  }
0xb2: {  	s29 =	simm.s32 $0x9;
	_ =	strace $0x8000004B  }
0xb3: {  	_ =	swait.ge [sflag:s29], $0x1  }
0xb4: {  	[sflag:s29] =	ssyncadd.s32 $0xFFFFFFFF  }
0xb5: {  	_ =	strace $0x9000004B  }
0xb6: {  	_ =	sfence  }
0xb7: {  	s30 =	sld [smem:$0x0];
	_ =	sdelay $0x2  }
0xb8: {  	s31 =	sshll.u32 s1, $0xD;
	s1 =	sshrl.u32 s1, $0x2  }
0xb9: {  	s3 =	sand.u32 $0x4000, s31;
	s1 =	sadd.s32 s1, s30  }
0xba: {  	s0 =	sor.u32 s3, s0;
	s1 =	sshll.u32 s1, $0x11  }
0xbb: {  	s0 =	sor.u32 s1, s0  }
0xbc: {  	s0 =	sadd.s32 $0x8F2B, s0  }
0xbd: {  	[sflag:s0] =	ssyncadd.remote.s32 $0x1  }
0xbe: {  	_ =	sfence.sel $0xFFFF  }
0xbf: {  	[dreg:$0x0] =	wrdreg $0xFFFFFFFF;
	(pc) =	sbr.abs _section_cstart, $3  }
0xc0: {  	[dreg:$0x1] =	wrdreg $0xFFFFFFFF  }
0xc1: {  	_ =	task.clear_ibuf [dreg:s7], $0x2FFFF;
	_ =	strace $0x9FFFFFFF  }
0xc2: {  	(tm) =	ssettm $0x7FFFFFFF  }
0xc3: {  	_ =	shalt  }
tec
execute0_lowered:
.L_overlay_start_1:
0x0: {  	(tag) =	ssettag $0x1  }
0x1: {  	s1 =	srdreg.scid  }
0x2: {  	s0 =	stileid.u32;
	s2 =	rddreg [dreg:$0x0]  }
0x3: {  	s5 =	rddreg [dreg:$0x1];
	s3 =	simm.s32 $0x0;
	s12 =	simm.s32 $0xF00  }
0x4: {  	s13 =	simm.s32 $0x4F00;
	s14 =	simm.s32 $0x8F00;
	s15 =	simm.s32 $0x1  }
0x5: {  	s16 =	simm.s32 $0x2;
	s17 =	simm.s32 $0x3;
	s18 =	simm.s32 $0xE80  }
0x6: {  	s19 =	simm.s32 $0x0;
	s6 =	sand.u32 $0x1, s1;
	s29 =	sshll.u32 s0, $0x1  }
0x7: {  	s1 =	rddreg [dreg:$0x2];
	s31 =	smul.u32 $0x1E000, s0;
	s4 =	sor.u32 s6, s29  }
0x8: {  	[smem:$0x7FF] =	sst s3;
	s9 =	sadd.s32 $0xA400, s5;
	s7 =	smul.u32 $0xF00, s4  }
0x9: {  	_ =	strace $0x8000004A;
	s8 =	ssub.s32 $0x2, s6;
	s10 =	smul.u32 $0xF000, s4  }
0xa: {  	s11 =	smul.u32 $0xF000, s6;
	s30 =	sshrl.u32 s8, $0x1;
	s7 =	sshrl.u32 s7, $0x3  }
0xb: {  	s10 =	sadd.s32 s9, s10;
	s9 =	sadd.s32 s31, s9;
	s7 =	sadd.s32 s7, s5  }
0xc: {  	s5 =	ssub.s32 s8, s30;
	s6 =	sadd.s32 $0xD800, s10;
	s8 =	sadd.s32 $0xE800, s10  }
0xd: {  	s9 =	sadd.s32 s11, s9;
	s11 =	simm.s32 $0x80;
	s4 =	sadd.s32 $0x6800, s7  }
0xe: {  	s5 =	smax.u32 s5, $0x1;
	s7 =	sadd.s32 $0xE000, s10;
	s10 =	simm.s32 $0x4  }
.LBB2_1:
0xf: {  	[tilespmem:s3], [sflag:$0x4] =	stream.linear.gather [hbm4b:s4+s3], $0xF00, $0x38;
	[tilespmem:$0xCF00] =	vst v63  }
0x10: {  	_ =	swait.ge [sflag:s10], $0xF00  }
0x11: {  	[sflag:s10] =	ssyncset.done $0x0  }
0x12: {  	[sflag:s10] =	ssyncadd.s32 $0xFFFFF100  }
0x13: {  	[tilespmem:s12], [sflag:$0x1] =	stream.indirect.gather [hbm4b:s2+s11], $0x80, s3, s11, $0xb8;
	[tilespmem:$0xCF00] =	vst v63  }
0x14: {  	_ = 	snop  }
0x15: {  	[tilespmem:s13], [sflag:$0x2] =	stream.indirect.gather [hbm4b:s2+s11], $0x80, s11, s11, $0xb8;
	[tilespmem:$0xCF00] =	vst v63  }
0x16: {  	s20 =	simm.s32 $0x100  }
0x17: {  	[tilespmem:s14], [sflag:$0x3] =	stream.indirect.gather [hbm4b:s2+s11], $0x80, s20, s11, $0xb8;
	[tilespmem:$0xCF00] =	vst v63  }
0x18: {  	_ =	swait.ge [sflag:s15], $0x4000  }
0x19: {  	[sflag:s15] =	ssyncset.done $0x0  }
0x1a: {  	s21 =	sadd.s32 $0x0, s9;
	[sflag:s15] =	ssyncadd.s32 $0xFFFFC000  }
0x1b: {  	[hbm4b:s21+s3] =	stream.linear.scatter [tilespmem:s12], [sflag:$0x4], $0x4000, $0x38;
	[tilespmem:$0xCF00] =	vst v63  }
0x1c: {  	_ =	swait.ge [sflag:s10], $0x4000  }
0x1d: {  	[sflag:s10] =	ssyncset.done $0x0  }
0x1e: {  	s22 =	simm.s32 $0x180;
	[sflag:s10] =	ssyncadd.s32 $0xFFFFC000  }
0x1f: {  	[tilespmem:s12], [sflag:$0x1] =	stream.indirect.gather [hbm4b:s2+s11], $0x80, s22, s11, $0xb8;
	[tilespmem:$0xCF00] =	vst v63  }
0x20: {  	_ =	swait.ge [sflag:s16], $0x4000  }
0x21: {  	[sflag:s16] =	ssyncset.done $0x0  }
0x22: {  	s30 =	sadd.s32 $0x800, s21;
	[sflag:s16] =	ssyncadd.s32 $0xFFFFC000  }
0x23: {  	[hbm4b:s30+s3] =	stream.linear.scatter [tilespmem:s13], [sflag:$0x4], $0x4000, $0x38;
	[tilespmem:$0xCF00] =	vst v63  }
0x24: {  	_ =	swait.ge [sflag:s10], $0x4000  }
0x25: {  	[sflag:s10] =	ssyncset.done $0x0  }
0x26: {  	s31 =	simm.s32 $0x200;
	[sflag:s10] =	ssyncadd.s32 $0xFFFFC000  }
0x27: {  	[tilespmem:s13], [sflag:$0x2] =	stream.indirect.gather [hbm4b:s2+s11], $0x80, s31, s11, $0xb8;
	[tilespmem:$0xCF00] =	vst v63  }
0x28: {  	_ =	swait.ge [sflag:s17], $0x4000  }
0x29: {  	[sflag:s17] =	ssyncset.done $0x0  }
0x2a: {  	s21 =	sadd.s32 $0x1000, s21;
	[sflag:s17] =	ssyncadd.s32 $0xFFFFC000  }
0x2b: {  	[hbm4b:s21+s3] =	stream.linear.scatter [tilespmem:s14], [sflag:$0x4], $0x4000, $0x38;
	[tilespmem:$0xCF00] =	vst v63  }
0x2c: {  	_ =	swait.ge [sflag:s10], $0x4000  }
0x2d: {  	s21 =	simm.s32 $0x1800;
	[sflag:s10] =	ssyncset.done $0x0  }
.LBB2_2:
0x2e: {  	p0 =	sne.s32 s21, $0xC000;
	[sflag:s10] =	ssyncadd.s32 $0xFFFFC000;
	s20 =	sadd.s32 $0x180, s20  }
0x2f: {  	[tilespmem:s14], [sflag:$0x3] =	stream.indirect.gather [hbm4b:s2+s11], $0x80, s20, s11, $0xb8;
	[tilespmem:$0xCF00] =	vst v63  }
0x30: {  	s22 =	smov.u32 s21;
	s21 =	sadd.s32 $0x1800, s21;
	_ =	swait.ge [sflag:s15], $0x4000  }
0x31: {  	[sflag:s15] =	ssyncset.done $0x0  }
0x32: {  	s22 =	sadd.s32 s22, s9;
	[sflag:s15] =	ssyncadd.s32 $0xFFFFC000  }
0x33: {  	[hbm4b:s22+s3] =	stream.linear.scatter [tilespmem:s12], [sflag:$0x4], $0x4000, $0x38;
	[tilespmem:$0xCF00] =	vst v63  }
0x34: {  	_ =	swait.ge [sflag:s10], $0x4000  }
0x35: {  	[sflag:s10] =	ssyncset.done $0x0  }
0x36: {  	s23 =	sadd.s32 $0x80, s20;
	[sflag:s10] =	ssyncadd.s32 $0xFFFFC000  }
0x37: {  	[tilespmem:s12], [sflag:$0x1] =	stream.indirect.gather [hbm4b:s2+s11], $0x80, s23, s11, $0xb8;
	[tilespmem:$0xCF00] =	vst v63  }
0x38: {  	_ =	swait.ge [sflag:s16], $0x4000  }
0x39: {  	[sflag:s16] =	ssyncset.done $0x0  }
0x3a: {  	s23 =	sadd.s32 $0x800, s22;
	[sflag:s16] =	ssyncadd.s32 $0xFFFFC000  }
0x3b: {  	[hbm4b:s23+s3] =	stream.linear.scatter [tilespmem:s13], [sflag:$0x4], $0x4000, $0x38;
	[tilespmem:$0xCF00] =	vst v63  }
0x3c: {  	_ =	swait.ge [sflag:s10], $0x4000  }
0x3d: {  	[sflag:s10] =	ssyncset.done $0x0  }
0x3e: {  	s23 =	sadd.s32 $0x100, s20;
	[sflag:s10] =	ssyncadd.s32 $0xFFFFC000  }
0x3f: {  	[tilespmem:s13], [sflag:$0x2] =	stream.indirect.gather [hbm4b:s2+s11], $0x80, s23, s11, $0xb8;
	[tilespmem:$0xCF00] =	vst v63  }
0x40: {  	_ =	swait.ge [sflag:s17], $0x4000  }
.Ltmp0:
0x41: {  	[sflag:s17] =	ssyncset.done $0x0;
	(pc) =	sbr.rel @p0 .LBB2_2-.Ltmp0, $4  }
0x42: {  	s22 =	sadd.s32 $0x1000, s22;
	[sflag:s17] =	ssyncadd.s32 $0xFFFFC000  }
0x43: {  	[hbm4b:s22+s3] =	stream.linear.scatter [tilespmem:s14], [sflag:$0x4], $0x4000, $0x38;
	[tilespmem:$0xCF00] =	vst v63  }
0x44: {  	_ =	swait.ge [sflag:s10], $0x4000  }
0x45: {  	[sflag:s10] =	ssyncset.done $0x0  }
0x46: {  	[sflag:s10] =	ssyncadd.s32 $0xFFFFC000  }
0x47: {  	[tilespmem:s14], [sflag:$0x3] =	stream.indirect.gather [hbm4b:s2+s11], $0x80, s18, s11, $0xb8;
	[tilespmem:$0xCF00] =	vst v63  }
0x48: {  	_ =	swait.ge [sflag:s15], $0x4000  }
0x49: {  	[sflag:s15] =	ssyncset.done $0x0  }
0x4a: {  	[sflag:s15] =	ssyncadd.s32 $0xFFFFC000  }
0x4b: {  	[hbm4b:s6+s3] =	stream.linear.scatter [tilespmem:s12], [sflag:$0x4], $0x4000, $0x38;
	[tilespmem:$0xCF00] =	vst v63  }
0x4c: {  	_ =	swait.ge [sflag:s10], $0x4000  }
0x4d: {  	[sflag:s10] =	ssyncset.done $0x0  }
0x4e: {  	[sflag:s10] =	ssyncadd.s32 $0xFFFFC000  }
0x4f: {  	_ =	swait.ge [sflag:s16], $0x4000  }
0x50: {  	[sflag:s16] =	ssyncset.done $0x0  }
0x51: {  	[sflag:s16] =	ssyncadd.s32 $0xFFFFC000  }
0x52: {  	[hbm4b:s7+s3] =	stream.linear.scatter [tilespmem:s13], [sflag:$0x4], $0x4000, $0x38;
	[tilespmem:$0xCF00] =	vst v63  }
0x53: {  	_ =	swait.ge [sflag:s10], $0x4000  }
0x54: {  	[sflag:s10] =	ssyncset.done $0x0  }
0x55: {  	[sflag:s10] =	ssyncadd.s32 $0xFFFFC000  }
0x56: {  	s19 =	sadd.s32 $0x1, s19;
	_ =	swait.ge [sflag:s17], $0x4000  }
0x57: {  	p0 =	sne.s32 s19, s5;
	[sflag:s17] =	ssyncset.done $0x0  }
.Ltmp1:
0x58: {  	[sflag:s17] =	ssyncadd.s32 $0xFFFFC000;
	(pc) =	sbr.rel @p0 .LBB2_1-.Ltmp1, $4  }
0x59: {  	[hbm4b:s8+s3] =	stream.linear.scatter [tilespmem:s14], [sflag:$0x4], $0x4000, $0x38;
	[tilespmem:$0xCF00] =	vst v63  }
0x5a: {  	_ =	swait.ge [sflag:s10], $0x4000  }
0x5b: {  	[sflag:s10] =	ssyncset.done $0x0  }
0x5c: {  	[sflag:s10] =	ssyncadd.s32 $0xFFFFC000  }
0x5d: {  	_ =	sfence.sel $0x180000  }
0x5e: {  	[bflag:$0x0] =	sbarrier.arrive $0xFFFF  }
0x5f: {  	p0 =	sne.s32 s0, $0x0;
	_ =	strace $0x9000004A  }
0x60: {  	s0 =	sadd.s32 @!p0 $0x100000, s1;
	[bflag:$0x2] =	sbarrier.arrive $0xFFFF  }
0x61: {  	[sflag:s0] =	ssyncadd.tile.s32 @!p0 $0x1;
	_ =	shalt  }
.Lfunc_end2:
_tile_overlayer_lowered:
.L_overlay_start_2:
0x62: {  	(tag) =	ssettag $0x2  }
0x63: {  	s0 =	rddreg [dreg:$0x0];
	s2 =	stileid.u32  }
0x64: {  	s1 =	rddreg [dreg:$0x1];
	p0 =	sne.s32 s2, $0x0  }
0x65: {  	s3 =	rddreg [dreg:$0x2];
	[bflag:$0x3] =	sbarrier.arrive $0xFFFF;
	s2 =	simm.s32 @!p0 $0x1C04  }
0x66: {  	[timem:s3], [sflag:s2] =	dma.local @!p0 [hbm:s0], s1  }
0x67: {  	s0 =	simm.s32 @!p0 $0x4  }
0x68: {  	_ =	swait.ge @!p0 [sflag:s0], s1  }
0x69: {  	s1 =	ssub.s32 @!p0 $0x0, s1;
	[sflag:s0] =	ssyncset.done @!p0 $0x0  }
0x6a: {  	[sflag:s0] =	ssyncadd.s32 @!p0 s1  }
0x6b: {  	[bflag:$0x3] =	sbarrier.arrive $0xFFFF  }
0x6c: {  	_ =	shalt  }

// kernel: kernel.15.cloned.1.call-start
scs
__scs_entry_jumppad:
0x0: {  	(pc) =	sbr.rel $0x88, $3  }
0x1: {  	(tag) =	ssettag $0x0;
	lr =	simm.s32 $0x1  }
0x2: {  	[smem:$0x3F93] =	sst lr;
	_ =	strace $0xD0000000  }
0x3: {  	_ = 	snop  }
0x4: {  	_ = 	snop  }
0x5: {  	_ = 	snop  }
0x6: {  	_ = 	snop  }
0x7: {  	_ = 	snop  }
__scs_overlays_trampoline_lowered:
0x8: {  	[smem:$0x3FA2] =	sst s0  }
0x9: {  	[smem:$0x3FA3] =	sst s1  }
0xa: {  	[smem:$0x3FA4] =	sst s2  }
0xb: {  	[smem:$0x3FA5] =	sst s3  }
0xc: {  	[smem:$0x3FA6] =	sst s4  }
0xd: {  	[smem:$0x3FA7] =	sst s5  }
0xe: {  	[smem:$0x3FA8] =	sst s6  }
0xf: {  	[smem:$0x3FA9] =	sst s7  }
0x10: {  	[smem:$0x3FAA] =	sst s8  }
0x11: {  	[smem:$0x3FAB] =	sst s9;
	s0 =	simm.s32 @!p0 $0x0  }
0x12: {  	s1 =	sld [smem:$0x3F91];
	s0 =	simm.s32 @p0 $0x1  }
0x13: {  	[smem:$0x3FAC] =	sst s0;
	s0 =	simm.s32 @!p1 $0x0  }
0x14: {  	s2 =	sld [smem:$0x3F90];
	s0 =	simm.s32 @p1 $0x1  }
0x15: {  	[smem:$0x3FAD] =	sst s0;
	s0 =	simm.s32 @!p2 $0x0  }
0x16: {  	s3 =	sld [smem:$0x3FDB];
	s0 =	simm.s32 @p2 $0x1  }
0x17: {  	s4 =	simm.s32 $0x1BF5;
	[smem:$0x3FAF] =	sst s0  }
0x18: {  	s0 =	sld [smem:$0x3F92];
	_ =	swait.ge [sflag:s4], $0x0  }
0x19: {  	s7 =	sld [smem:$0x3F93]  }
0x1a: {  	s8 =	sadd.s32 $0xFFFFE003, lr  }
0x1b: {  	s9 =	sadd.s32 $0xFFFFFEF7, lr;
	s5 =	simm.s32 $0xFFFFFFFF;
	p2 =	slt.u32 s8, $0xFFFFF086  }
0x1c: {  	p1 =	slt.u32 s9, $0xF7A;
	s5 =	simm.s32 @!p2 $0x0  }
0x1d: {  	s5 =	simm.s32 @p1 $0x1;
	p0 =	seq.s32 s7, s2  }
0x1e: {  	s7 =	smul.u32 @!p0 $0xF7A, s2;
	p2 =	seq.s32 @!p0 s5, $0x0  }
0x1f: {  	s9 =	smul.u32 $0xF7A, s1;
	s8 =	simm.s32 @!p0 $0x1BF5;
	p2 =	por !p2, p0  }
0x20: {  	[sflag:s8] =	ssyncset.s32 @!p0 $0xFFFFF086;
	s6 =	sadd.s32 @!p0 s3, s7;
	s7 =	simm.s32 @!p0 $0x108  }
0x21: {  	s3 =	sadd.s32 s3, s9;
	s6 =	sadd.s32 @!p0 $0x88, s6;
	s7 =	simm.s32 @p2 $0x1082  }
0x22: {  	[simem:s7], [sflag:s8] =	dma.local @!p0 [hbm:s6], $0xF7A  }
0x23: {  	s9 =	sor.u32 $0xD0000000, s2;
	s6 =	simm.s32 $0x108;
	_ =	swait.ge @!p0 [sflag:s8], $0x0  }
0x24: {  	s3 =	sadd.s32 $0x88, s3;
	s6 =	simm.s32 @!p1 $0x1082;
	[sflag:s4] =	ssyncset.s32 $0xFFFFF086  }
0x25: {  	[simem:s6], [sflag:s4] =	dma.local [hbm:s3], $0xF7A  }
0x26: {  	[smem:$0x3F93] =	sst s1;
	(tag) =	ssettag s2;
	_ =	strace s9  }
0x27: {  	s1 =	sld [smem:$0x3FA3]  }
0x28: {  	s2 =	sld [smem:$0x3FA4]  }
0x29: {  	s4 =	sld [smem:$0x3FA6]  }
0x2a: {  	p0 =	seq.s32 s5, $0x0;
	s5 =	sld [smem:$0x3FA7]  }
0x2b: {  	s6 =	sld [smem:$0x3FA8]  }
0x2c: {  	s7 =	sld [smem:$0x3FA9]  }
0x2d: {  	s3 =	simm.s32 $0x108;
	s8 =	sld [smem:$0x3FAA]  }
0x2e: {  	s3 =	simm.s32 @!p0 $0x1082;
	s9 =	sld [smem:$0x3FAB]  }
0x2f: {  	lr =	sadd.s32 s0, s3;
	s0 =	sld [smem:$0x3FA2]  }
0x30: {  	s3 =	sld [smem:$0x3FA5]  }
0x31: {  	[smem:$0x3FAE] =	sst s10  }
0x32: {  	s10 =	sld [smem:$0x3FAC];
	_ =	sdelay $0x3  }
0x33: {  	p0 =	seq.s32 s10, $0x1;
	s10 =	sld [smem:$0x3FAE];
	_ =	sdelay $0x3  }
0x34: {  	[smem:$0x3FAE] =	sst s10  }
0x35: {  	s10 =	sld [smem:$0x3FAD];
	_ =	sdelay $0x3  }
0x36: {  	p1 =	seq.s32 s10, $0x1;
	s10 =	sld [smem:$0x3FAE];
	_ =	sdelay $0x3  }
0x37: {  	[smem:$0x3FAE] =	sst s10  }
0x38: {  	s10 =	sld [smem:$0x3FAF]  }
0x39: {  	_ = 	snop;
	(pc) =	sbr.ind lr, $3  }
0x3a: {  	_ = 	snop  }
0x3b: {  	_ = 	snop  }
0x3c: {  	p2 =	seq.s32 s10, $0x1;
	s10 =	sld [smem:$0x3FAE]  }
0x3d: {  	_ =	shalt  }
0x3e: {  	_ =	shalt  }
0x3f: {  	_ =	shalt  }
0x40: {  	_ =	shalt  }
0x41: {  	_ =	shalt  }
0x42: {  	_ =	shalt  }
0x43: {  	_ =	shalt  }
0x44: {  	_ =	shalt  }
0x45: {  	_ =	shalt  }
0x46: {  	_ =	shalt  }
0x47: {  	_ =	shalt  }
0x48: {  	_ =	shalt  }
0x49: {  	_ =	shalt  }
0x4a: {  	_ =	shalt  }
0x4b: {  	_ =	shalt  }
0x4c: {  	_ =	shalt  }
0x4d: {  	_ =	shalt  }
0x4e: {  	_ =	shalt  }
0x4f: {  	_ =	shalt  }
0x50: {  	_ =	shalt  }
0x51: {  	_ =	shalt  }
0x52: {  	_ =	shalt  }
0x53: {  	_ =	shalt  }
0x54: {  	_ =	shalt  }
0x55: {  	_ =	shalt  }
0x56: {  	_ =	shalt  }
0x57: {  	_ =	shalt  }
0x58: {  	_ =	shalt  }
0x59: {  	_ =	shalt  }
0x5a: {  	_ =	shalt  }
0x5b: {  	_ =	shalt  }
0x5c: {  	_ =	shalt  }
0x5d: {  	_ =	shalt  }
0x5e: {  	_ =	shalt  }
0x5f: {  	_ =	shalt  }
0x60: {  	_ =	shalt  }
0x61: {  	_ =	shalt  }
0x62: {  	_ =	shalt  }
0x63: {  	_ =	shalt  }
0x64: {  	_ =	shalt  }
0x65: {  	_ =	shalt  }
0x66: {  	_ =	shalt  }
0x67: {  	_ =	shalt  }
0x68: {  	_ =	shalt  }
0x69: {  	_ =	shalt  }
0x6a: {  	_ =	shalt  }
0x6b: {  	_ =	shalt  }
0x6c: {  	_ =	shalt  }
0x6d: {  	_ =	shalt  }
0x6e: {  	_ =	shalt  }
0x6f: {  	_ =	shalt  }
0x70: {  	_ =	shalt  }
0x71: {  	_ =	shalt  }
0x72: {  	_ =	shalt  }
0x73: {  	_ =	shalt  }
0x74: {  	_ =	shalt  }
0x75: {  	_ =	shalt  }
0x76: {  	_ =	shalt  }
0x77: {  	_ =	shalt  }
0x78: {  	_ =	shalt  }
0x79: {  	_ =	shalt  }
0x7a: {  	_ =	shalt  }
0x7b: {  	_ =	shalt  }
0x7c: {  	_ =	shalt  }
0x7d: {  	_ =	shalt  }
0x7e: {  	_ =	shalt  }
0x7f: {  	_ =	shalt  }
0x80: {  	_ =	shalt  }
0x81: {  	_ =	shalt  }
0x82: {  	_ =	shalt  }
0x83: {  	_ =	shalt  }
0x84: {  	_ =	shalt  }
0x85: {  	_ =	shalt  }
0x86: {  	_ =	shalt  }
0x87: {  	_ =	shalt  }
.Lfunc_end0:
.L_simem_size_0:
called_computation.2_lowered:
.L_overlay_start_0:
0x88: {  	s2 =	sld [smem:$0x3FD9]  }
0x89: {  	s3 =	sld [smem:$0x3FFE];
	_ =	sdelay $0x1  }
0x8a: {  	s1 =	srdreg.scid  }
0x8b: {  	s0 =	sand.u32 $0x1, s1  }
0x8c: {  	s17 =	sshll.u32 s0, $0xA;
	s2 =	sadd.s32 s3, s2  }
0x8d: {  	s2 =	sadd.s32 s2, s17  }
0x8e: {  	[smem:$0x3FBA] =	sst s2  }
0x8f: {  	_ = 	snop  }
0x90: {  	s2 =	sld [smem:$0x3FD0];
	(tm) =	ssettm $0x1  }
0x91: {  	s18 =	sld [smem:$0x3FFB];
	_ =	sdelay $0x3  }
0x92: {  	_ =	strace s18  }
0x93: {  	s3 =	sld [smem:$0x3FFC];
	_ =	sdelay $0x3  }
0x94: {  	_ =	strace s3  }
0x95: {  	s3 =	sld [smem:$0x3FFD];
	_ =	sdelay $0x3  }
0x96: {  	_ =	strace s3  }
0x97: {  	_ =	strace $0x8FFFFFFF  }
0x98: {  	s19 =	sld [smem:$0x3FDB];
	_ =	sdelay $0x1  }
0x99: {  	s4 =	simm.s32 $_scs_section_size  }
0x9a: {  	s5 =	simm.s32 $_size__tile_overlayer_lowered;
	s6 =	simm.s32 $_tile_overlayer_lowered  }
0x9b: {  	s22 =	simm.s32 $0x1BFF;
	s21 =	sshll.u32 s6, $0x1;
	s3 =	sadd.s32 s4, s19  }
0x9c: {  	s7 =	simm.s32 $0x0;
	s20 =	sshll.u32 s5, $0x1;
	s5 =	sadd.s32 s21, s3  }
0x9d: {  	[timem:s7], [sflag:s22] =	dma.local [hbm:s5], s20  }
0x9e: {  	_ =	swait.ge [sflag:s22], s20  }
0x9f: {  	s4 =	ssub.s32 $0x0, s20;
	[sflag:s22] =	ssyncset.done $0x0  }
0xa0: {  	[sflag:s22] =	ssyncadd.s32 s4;
	_ =	sdelay $0x1  }
0xa1: {  	s23 =	simm.s32 $0x1B8B  }
0xa2: {  	_ =	swait.ge [sflag:s23], $0x1  }
0xa3: {  	[sflag:s23] =	ssyncset.done $0x0  }
0xa4: {  	s25 =	simm.s32 $0x1B8E;
	s24 =	sld [smem:$0x3FFE];
	[sflag:s23] =	ssyncadd.s32 $0xFFFFFFFF  }
0xa5: {  	s26 =	simm.s32 $execute0_lowered;
	[smem:$0x3FD2] =	sst s25  }
0xa6: {  	s5 =	sshll.u32 s26, $0x1;
	_ =	strace $0x8000004C;
	[dreg:$0x1] =	wrdreg $0xFFFFFFFF  }
0xa7: {  	s28 =	simm.s32 $_size_execute0_lowered;
	s3 =	sadd.s32 s3, s5;
	[dreg:$0x0] =	wrdreg $0x0  }
0xa8: {  	s5 =	sshll.u32 s28, $0x1;
	[dreg:$0x2] =	wrdreg s3  }
0xa9: {  	[dreg:$0x3] =	wrdreg s5  }
0xaa: {  	[dreg:$0x4] =	wrdreg $0xC0  }
0xab: {  	_ =	task [dreg:s7], $0x5FFFF  }
0xac: {  	[dreg:$0x1] =	wrdreg $0xFFFFFFFF  }
0xad: {  	[dreg:$0x0] =	wrdreg $0x60  }
0xae: {  	[dreg:$0x2] =	wrdreg s2  }
0xaf: {  	[dreg:$0x3] =	wrdreg s24  }
0xb0: {  	[dreg:$0x4] =	wrdreg $0x9  }
0xb1: {  	_ =	task.clear_ibuf [dreg:s7], $0x5FFFF;
	_ =	strace $0x9000004C  }
0xb2: {  	s29 =	simm.s32 $0x9;
	_ =	strace $0x8000004E  }
0xb3: {  	_ =	swait.ge [sflag:s29], $0x1  }
0xb4: {  	[sflag:s29] =	ssyncadd.s32 $0xFFFFFFFF  }
0xb5: {  	_ =	strace $0x9000004E  }
0xb6: {  	_ =	sfence  }
0xb7: {  	s30 =	sld [smem:$0x0];
	_ =	sdelay $0x2  }
0xb8: {  	s31 =	sshll.u32 s1, $0xD;
	s1 =	sshrl.u32 s1, $0x2  }
0xb9: {  	s3 =	sand.u32 $0x4000, s31;
	s1 =	sadd.s32 s1, s30  }
0xba: {  	s0 =	sor.u32 s3, s0;
	s1 =	sshll.u32 s1, $0x11  }
0xbb: {  	s0 =	sor.u32 s1, s0  }
0xbc: {  	s0 =	sadd.s32 $0x8F2B, s0  }
0xbd: {  	[sflag:s0] =	ssyncadd.remote.s32 $0x1  }
0xbe: {  	_ =	sfence.sel $0xFFFF  }
0xbf: {  	[dreg:$0x0] =	wrdreg $0xFFFFFFFF;
	(pc) =	sbr.abs _section_cstart, $3  }
0xc0: {  	[dreg:$0x1] =	wrdreg $0xFFFFFFFF  }
0xc1: {  	_ =	task.clear_ibuf [dreg:s7], $0x2FFFF;
	_ =	strace $0x9FFFFFFF  }
0xc2: {  	(tm) =	ssettm $0x7FFFFFFF  }
0xc3: {  	_ =	shalt  }
tec
execute0_lowered:
.L_overlay_start_1:
0x0: {  	(tag) =	ssettag $0x1  }
0x1: {  	s1 =	srdreg.scid  }
0x2: {  	s0 =	stileid.u32;
	s2 =	rddreg [dreg:$0x0]  }
0x3: {  	s5 =	rddreg [dreg:$0x1];
	s3 =	simm.s32 $0x0;
	s12 =	simm.s32 $0xF00  }
0x4: {  	s13 =	simm.s32 $0x4F00;
	s14 =	simm.s32 $0x8F00;
	s15 =	simm.s32 $0x1  }
0x5: {  	s16 =	simm.s32 $0x2;
	s17 =	simm.s32 $0x3;
	s18 =	simm.s32 $0xE80  }
0x6: {  	s19 =	simm.s32 $0x0;
	s6 =	sand.u32 $0x1, s1;
	s29 =	sshll.u32 s0, $0x1  }
0x7: {  	s1 =	rddreg [dreg:$0x2];
	s31 =	smul.u32 $0x1E000, s0;
	s4 =	sor.u32 s6, s29  }
0x8: {  	[smem:$0x7FF] =	sst s3;
	s9 =	sadd.s32 $0xA400, s5;
	s7 =	smul.u32 $0xF00, s4  }
0x9: {  	_ =	strace $0x8000004D;
	s8 =	ssub.s32 $0x2, s6;
	s10 =	smul.u32 $0xF000, s4  }
0xa: {  	s11 =	smul.u32 $0xF000, s6;
	s30 =	sshrl.u32 s8, $0x1;
	s7 =	sshrl.u32 s7, $0x3  }
0xb: {  	s10 =	sadd.s32 s9, s10;
	s9 =	sadd.s32 s31, s9;
	s7 =	sadd.s32 s7, s5  }
0xc: {  	s5 =	ssub.s32 s8, s30;
	s6 =	sadd.s32 $0xD800, s10;
	s8 =	sadd.s32 $0xE800, s10  }
0xd: {  	s9 =	sadd.s32 s11, s9;
	s11 =	simm.s32 $0x80;
	s4 =	sadd.s32 $0x6800, s7  }
0xe: {  	s5 =	smax.u32 s5, $0x1;
	s7 =	sadd.s32 $0xE000, s10;
	s10 =	simm.s32 $0x4  }
.LBB2_1:
0xf: {  	[tilespmem:s3], [sflag:$0x4] =	stream.linear.gather [hbm4b:s4+s3], $0xF00, $0x38;
	[tilespmem:$0xCF00] =	vst v63  }
0x10: {  	_ =	swait.ge [sflag:s10], $0xF00  }
0x11: {  	[sflag:s10] =	ssyncset.done $0x0  }
0x12: {  	[sflag:s10] =	ssyncadd.s32 $0xFFFFF100  }
0x13: {  	[tilespmem:s12], [sflag:$0x1] =	stream.indirect.gather [hbm4b:s2+s11], $0x80, s3, s11, $0xb8;
	[tilespmem:$0xCF00] =	vst v63  }
0x14: {  	_ = 	snop  }
0x15: {  	[tilespmem:s13], [sflag:$0x2] =	stream.indirect.gather [hbm4b:s2+s11], $0x80, s11, s11, $0xb8;
	[tilespmem:$0xCF00] =	vst v63  }
0x16: {  	s20 =	simm.s32 $0x100  }
0x17: {  	[tilespmem:s14], [sflag:$0x3] =	stream.indirect.gather [hbm4b:s2+s11], $0x80, s20, s11, $0xb8;
	[tilespmem:$0xCF00] =	vst v63  }
0x18: {  	_ =	swait.ge [sflag:s15], $0x4000  }
0x19: {  	[sflag:s15] =	ssyncset.done $0x0  }
0x1a: {  	s21 =	sadd.s32 $0x0, s9;
	[sflag:s15] =	ssyncadd.s32 $0xFFFFC000  }
0x1b: {  	[hbm4b:s21+s3] =	stream.linear.scatter [tilespmem:s12], [sflag:$0x4], $0x4000, $0x38;
	[tilespmem:$0xCF00] =	vst v63  }
0x1c: {  	_ =	swait.ge [sflag:s10], $0x4000  }
0x1d: {  	[sflag:s10] =	ssyncset.done $0x0  }
0x1e: {  	s22 =	simm.s32 $0x180;
	[sflag:s10] =	ssyncadd.s32 $0xFFFFC000  }
0x1f: {  	[tilespmem:s12], [sflag:$0x1] =	stream.indirect.gather [hbm4b:s2+s11], $0x80, s22, s11, $0xb8;
	[tilespmem:$0xCF00] =	vst v63  }
0x20: {  	_ =	swait.ge [sflag:s16], $0x4000  }
0x21: {  	[sflag:s16] =	ssyncset.done $0x0  }
0x22: {  	s30 =	sadd.s32 $0x800, s21;
	[sflag:s16] =	ssyncadd.s32 $0xFFFFC000  }
0x23: {  	[hbm4b:s30+s3] =	stream.linear.scatter [tilespmem:s13], [sflag:$0x4], $0x4000, $0x38;
	[tilespmem:$0xCF00] =	vst v63  }
0x24: {  	_ =	swait.ge [sflag:s10], $0x4000  }
0x25: {  	[sflag:s10] =	ssyncset.done $0x0  }
0x26: {  	s31 =	simm.s32 $0x200;
	[sflag:s10] =	ssyncadd.s32 $0xFFFFC000  }
0x27: {  	[tilespmem:s13], [sflag:$0x2] =	stream.indirect.gather [hbm4b:s2+s11], $0x80, s31, s11, $0xb8;
	[tilespmem:$0xCF00] =	vst v63  }
0x28: {  	_ =	swait.ge [sflag:s17], $0x4000  }
0x29: {  	[sflag:s17] =	ssyncset.done $0x0  }
0x2a: {  	s21 =	sadd.s32 $0x1000, s21;
	[sflag:s17] =	ssyncadd.s32 $0xFFFFC000  }
0x2b: {  	[hbm4b:s21+s3] =	stream.linear.scatter [tilespmem:s14], [sflag:$0x4], $0x4000, $0x38;
	[tilespmem:$0xCF00] =	vst v63  }
0x2c: {  	_ =	swait.ge [sflag:s10], $0x4000  }
0x2d: {  	s21 =	simm.s32 $0x1800;
	[sflag:s10] =	ssyncset.done $0x0  }
.LBB2_2:
0x2e: {  	p0 =	sne.s32 s21, $0xC000;
	[sflag:s10] =	ssyncadd.s32 $0xFFFFC000;
	s20 =	sadd.s32 $0x180, s20  }
0x2f: {  	[tilespmem:s14], [sflag:$0x3] =	stream.indirect.gather [hbm4b:s2+s11], $0x80, s20, s11, $0xb8;
	[tilespmem:$0xCF00] =	vst v63  }
0x30: {  	s22 =	smov.u32 s21;
	s21 =	sadd.s32 $0x1800, s21;
	_ =	swait.ge [sflag:s15], $0x4000  }
0x31: {  	[sflag:s15] =	ssyncset.done $0x0  }
0x32: {  	s22 =	sadd.s32 s22, s9;
	[sflag:s15] =	ssyncadd.s32 $0xFFFFC000  }
0x33: {  	[hbm4b:s22+s3] =	stream.linear.scatter [tilespmem:s12], [sflag:$0x4], $0x4000, $0x38;
	[tilespmem:$0xCF00] =	vst v63  }
0x34: {  	_ =	swait.ge [sflag:s10], $0x4000  }
0x35: {  	[sflag:s10] =	ssyncset.done $0x0  }
0x36: {  	s23 =	sadd.s32 $0x80, s20;
	[sflag:s10] =	ssyncadd.s32 $0xFFFFC000  }
0x37: {  	[tilespmem:s12], [sflag:$0x1] =	stream.indirect.gather [hbm4b:s2+s11], $0x80, s23, s11, $0xb8;
	[tilespmem:$0xCF00] =	vst v63  }
0x38: {  	_ =	swait.ge [sflag:s16], $0x4000  }
0x39: {  	[sflag:s16] =	ssyncset.done $0x0  }
0x3a: {  	s23 =	sadd.s32 $0x800, s22;
	[sflag:s16] =	ssyncadd.s32 $0xFFFFC000  }
0x3b: {  	[hbm4b:s23+s3] =	stream.linear.scatter [tilespmem:s13], [sflag:$0x4], $0x4000, $0x38;
	[tilespmem:$0xCF00] =	vst v63  }
0x3c: {  	_ =	swait.ge [sflag:s10], $0x4000  }
0x3d: {  	[sflag:s10] =	ssyncset.done $0x0  }
0x3e: {  	s23 =	sadd.s32 $0x100, s20;
	[sflag:s10] =	ssyncadd.s32 $0xFFFFC000  }
0x3f: {  	[tilespmem:s13], [sflag:$0x2] =	stream.indirect.gather [hbm4b:s2+s11], $0x80, s23, s11, $0xb8;
	[tilespmem:$0xCF00] =	vst v63  }
0x40: {  	_ =	swait.ge [sflag:s17], $0x4000  }
.Ltmp0:
0x41: {  	[sflag:s17] =	ssyncset.done $0x0;
	(pc) =	sbr.rel @p0 .LBB2_2-.Ltmp0, $4  }
0x42: {  	s22 =	sadd.s32 $0x1000, s22;
	[sflag:s17] =	ssyncadd.s32 $0xFFFFC000  }
0x43: {  	[hbm4b:s22+s3] =	stream.linear.scatter [tilespmem:s14], [sflag:$0x4], $0x4000, $0x38;
	[tilespmem:$0xCF00] =	vst v63  }
0x44: {  	_ =	swait.ge [sflag:s10], $0x4000  }
0x45: {  	[sflag:s10] =	ssyncset.done $0x0  }
0x46: {  	[sflag:s10] =	ssyncadd.s32 $0xFFFFC000  }
0x47: {  	[tilespmem:s14], [sflag:$0x3] =	stream.indirect.gather [hbm4b:s2+s11], $0x80, s18, s11, $0xb8;
	[tilespmem:$0xCF00] =	vst v63  }
0x48: {  	_ =	swait.ge [sflag:s15], $0x4000  }
0x49: {  	[sflag:s15] =	ssyncset.done $0x0  }
0x4a: {  	[sflag:s15] =	ssyncadd.s32 $0xFFFFC000  }
0x4b: {  	[hbm4b:s6+s3] =	stream.linear.scatter [tilespmem:s12], [sflag:$0x4], $0x4000, $0x38;
	[tilespmem:$0xCF00] =	vst v63  }
0x4c: {  	_ =	swait.ge [sflag:s10], $0x4000  }
0x4d: {  	[sflag:s10] =	ssyncset.done $0x0  }
0x4e: {  	[sflag:s10] =	ssyncadd.s32 $0xFFFFC000  }
0x4f: {  	_ =	swait.ge [sflag:s16], $0x4000  }
0x50: {  	[sflag:s16] =	ssyncset.done $0x0  }
0x51: {  	[sflag:s16] =	ssyncadd.s32 $0xFFFFC000  }
0x52: {  	[hbm4b:s7+s3] =	stream.linear.scatter [tilespmem:s13], [sflag:$0x4], $0x4000, $0x38;
	[tilespmem:$0xCF00] =	vst v63  }
0x53: {  	_ =	swait.ge [sflag:s10], $0x4000  }
0x54: {  	[sflag:s10] =	ssyncset.done $0x0  }
0x55: {  	[sflag:s10] =	ssyncadd.s32 $0xFFFFC000  }
0x56: {  	s19 =	sadd.s32 $0x1, s19;
	_ =	swait.ge [sflag:s17], $0x4000  }
0x57: {  	p0 =	sne.s32 s19, s5;
	[sflag:s17] =	ssyncset.done $0x0  }
.Ltmp1:
0x58: {  	[sflag:s17] =	ssyncadd.s32 $0xFFFFC000;
	(pc) =	sbr.rel @p0 .LBB2_1-.Ltmp1, $4  }
0x59: {  	[hbm4b:s8+s3] =	stream.linear.scatter [tilespmem:s14], [sflag:$0x4], $0x4000, $0x38;
	[tilespmem:$0xCF00] =	vst v63  }
0x5a: {  	_ =	swait.ge [sflag:s10], $0x4000  }
0x5b: {  	[sflag:s10] =	ssyncset.done $0x0  }
0x5c: {  	[sflag:s10] =	ssyncadd.s32 $0xFFFFC000  }
0x5d: {  	_ =	sfence.sel $0x180000  }
0x5e: {  	[bflag:$0x0] =	sbarrier.arrive $0xFFFF  }
0x5f: {  	p0 =	sne.s32 s0, $0x0;
	_ =	strace $0x9000004D  }
0x60: {  	s0 =	sadd.s32 @!p0 $0x100000, s1;
	[bflag:$0x2] =	sbarrier.arrive $0xFFFF  }
0x61: {  	[sflag:s0] =	ssyncadd.tile.s32 @!p0 $0x1;
	_ =	shalt  }
.Lfunc_end2:
_tile_overlayer_lowered:
.L_overlay_start_2:
0x62: {  	(tag) =	ssettag $0x2  }
0x63: {  	s0 =	rddreg [dreg:$0x0];
	s2 =	stileid.u32  }
0x64: {  	s1 =	rddreg [dreg:$0x1];
	p0 =	sne.s32 s2, $0x0  }
0x65: {  	s3 =	rddreg [dreg:$0x2];
	[bflag:$0x3] =	sbarrier.arrive $0xFFFF;
	s2 =	simm.s32 @!p0 $0x1C04  }
0x66: {  	[timem:s3], [sflag:s2] =	dma.local @!p0 [hbm:s0], s1  }
0x67: {  	s0 =	simm.s32 @!p0 $0x4  }
0x68: {  	_ =	swait.ge @!p0 [sflag:s0], s1  }
0x69: {  	s1 =	ssub.s32 @!p0 $0x0, s1;
	[sflag:s0] =	ssyncset.done @!p0 $0x0  }
0x6a: {  	[sflag:s0] =	ssyncadd.s32 @!p0 s1  }
0x6b: {  	[bflag:$0x3] =	sbarrier.arrive $0xFFFF  }
0x6c: {  	_ =	shalt  }

// kernel: kernel.9.cloned.1.call-start
scs
__scs_entry_jumppad:
0x0: {  	(pc) =	sbr.rel $0x88, $3  }
0x1: {  	(tag) =	ssettag $0x0;
	lr =	simm.s32 $0x1  }
0x2: {  	[smem:$0x3F93] =	sst lr;
	_ =	strace $0xD0000000  }
0x3: {  	_ = 	snop  }
0x4: {  	_ = 	snop  }
0x5: {  	_ = 	snop  }
0x6: {  	_ = 	snop  }
0x7: {  	_ = 	snop  }
__scs_overlays_trampoline_lowered:
0x8: {  	[smem:$0x3FA2] =	sst s0  }
0x9: {  	[smem:$0x3FA3] =	sst s1  }
0xa: {  	[smem:$0x3FA4] =	sst s2  }
0xb: {  	[smem:$0x3FA5] =	sst s3  }
0xc: {  	[smem:$0x3FA6] =	sst s4  }
0xd: {  	[smem:$0x3FA7] =	sst s5  }
0xe: {  	[smem:$0x3FA8] =	sst s6  }
0xf: {  	[smem:$0x3FA9] =	sst s7  }
0x10: {  	[smem:$0x3FAA] =	sst s8  }
0x11: {  	[smem:$0x3FAB] =	sst s9;
	s0 =	simm.s32 @!p0 $0x0  }
0x12: {  	s1 =	sld [smem:$0x3F91];
	s0 =	simm.s32 @p0 $0x1  }
0x13: {  	[smem:$0x3FAC] =	sst s0;
	s0 =	simm.s32 @!p1 $0x0  }
0x14: {  	s2 =	sld [smem:$0x3F90];
	s0 =	simm.s32 @p1 $0x1  }
0x15: {  	[smem:$0x3FAD] =	sst s0;
	s0 =	simm.s32 @!p2 $0x0  }
0x16: {  	s3 =	sld [smem:$0x3FDB];
	s0 =	simm.s32 @p2 $0x1  }
0x17: {  	s4 =	simm.s32 $0x1BF5;
	[smem:$0x3FAF] =	sst s0  }
0x18: {  	s0 =	sld [smem:$0x3F92];
	_ =	swait.ge [sflag:s4], $0x0  }
0x19: {  	s7 =	sld [smem:$0x3F93]  }
0x1a: {  	s8 =	sadd.s32 $0xFFFFE003, lr  }
0x1b: {  	s9 =	sadd.s32 $0xFFFFFEF7, lr;
	s5 =	simm.s32 $0xFFFFFFFF;
	p2 =	slt.u32 s8, $0xFFFFF086  }
0x1c: {  	p1 =	slt.u32 s9, $0xF7A;
	s5 =	simm.s32 @!p2 $0x0  }
0x1d: {  	s5 =	simm.s32 @p1 $0x1;
	p0 =	seq.s32 s7, s2  }
0x1e: {  	s7 =	smul.u32 @!p0 $0xF7A, s2;
	p2 =	seq.s32 @!p0 s5, $0x0  }
0x1f: {  	s9 =	smul.u32 $0xF7A, s1;
	s8 =	simm.s32 @!p0 $0x1BF5;
	p2 =	por !p2, p0  }
0x20: {  	[sflag:s8] =	ssyncset.s32 @!p0 $0xFFFFF086;
	s6 =	sadd.s32 @!p0 s3, s7;
	s7 =	simm.s32 @!p0 $0x108  }
0x21: {  	s3 =	sadd.s32 s3, s9;
	s6 =	sadd.s32 @!p0 $0x88, s6;
	s7 =	simm.s32 @p2 $0x1082  }
0x22: {  	[simem:s7], [sflag:s8] =	dma.local @!p0 [hbm:s6], $0xF7A  }
0x23: {  	s9 =	sor.u32 $0xD0000000, s2;
	s6 =	simm.s32 $0x108;
	_ =	swait.ge @!p0 [sflag:s8], $0x0  }
0x24: {  	s3 =	sadd.s32 $0x88, s3;
	s6 =	simm.s32 @!p1 $0x1082;
	[sflag:s4] =	ssyncset.s32 $0xFFFFF086  }
0x25: {  	[simem:s6], [sflag:s4] =	dma.local [hbm:s3], $0xF7A  }
0x26: {  	[smem:$0x3F93] =	sst s1;
	(tag) =	ssettag s2;
	_ =	strace s9  }
0x27: {  	s1 =	sld [smem:$0x3FA3]  }
0x28: {  	s2 =	sld [smem:$0x3FA4]  }
0x29: {  	s4 =	sld [smem:$0x3FA6]  }
0x2a: {  	p0 =	seq.s32 s5, $0x0;
	s5 =	sld [smem:$0x3FA7]  }
0x2b: {  	s6 =	sld [smem:$0x3FA8]  }
0x2c: {  	s7 =	sld [smem:$0x3FA9]  }
0x2d: {  	s3 =	simm.s32 $0x108;
	s8 =	sld [smem:$0x3FAA]  }
0x2e: {  	s3 =	simm.s32 @!p0 $0x1082;
	s9 =	sld [smem:$0x3FAB]  }
0x2f: {  	lr =	sadd.s32 s0, s3;
	s0 =	sld [smem:$0x3FA2]  }
0x30: {  	s3 =	sld [smem:$0x3FA5]  }
0x31: {  	[smem:$0x3FAE] =	sst s10  }
0x32: {  	s10 =	sld [smem:$0x3FAC];
	_ =	sdelay $0x3  }
0x33: {  	p0 =	seq.s32 s10, $0x1;
	s10 =	sld [smem:$0x3FAE];
	_ =	sdelay $0x3  }
0x34: {  	[smem:$0x3FAE] =	sst s10  }
0x35: {  	s10 =	sld [smem:$0x3FAD];
	_ =	sdelay $0x3  }
0x36: {  	p1 =	seq.s32 s10, $0x1;
	s10 =	sld [smem:$0x3FAE];
	_ =	sdelay $0x3  }
0x37: {  	[smem:$0x3FAE] =	sst s10  }
0x38: {  	s10 =	sld [smem:$0x3FAF]  }
0x39: {  	_ = 	snop;
	(pc) =	sbr.ind lr, $3  }
0x3a: {  	_ = 	snop  }
0x3b: {  	_ = 	snop  }
0x3c: {  	p2 =	seq.s32 s10, $0x1;
	s10 =	sld [smem:$0x3FAE]  }
0x3d: {  	_ =	shalt  }
0x3e: {  	_ =	shalt  }
0x3f: {  	_ =	shalt  }
0x40: {  	_ =	shalt  }
0x41: {  	_ =	shalt  }
0x42: {  	_ =	shalt  }
0x43: {  	_ =	shalt  }
0x44: {  	_ =	shalt  }
0x45: {  	_ =	shalt  }
0x46: {  	_ =	shalt  }
0x47: {  	_ =	shalt  }
0x48: {  	_ =	shalt  }
0x49: {  	_ =	shalt  }
0x4a: {  	_ =	shalt  }
0x4b: {  	_ =	shalt  }
0x4c: {  	_ =	shalt  }
0x4d: {  	_ =	shalt  }
0x4e: {  	_ =	shalt  }
0x4f: {  	_ =	shalt  }
0x50: {  	_ =	shalt  }
0x51: {  	_ =	shalt  }
0x52: {  	_ =	shalt  }
0x53: {  	_ =	shalt  }
0x54: {  	_ =	shalt  }
0x55: {  	_ =	shalt  }
0x56: {  	_ =	shalt  }
0x57: {  	_ =	shalt  }
0x58: {  	_ =	shalt  }
0x59: {  	_ =	shalt  }
0x5a: {  	_ =	shalt  }
0x5b: {  	_ =	shalt  }
0x5c: {  	_ =	shalt  }
0x5d: {  	_ =	shalt  }
0x5e: {  	_ =	shalt  }
0x5f: {  	_ =	shalt  }
0x60: {  	_ =	shalt  }
0x61: {  	_ =	shalt  }
0x62: {  	_ =	shalt  }
0x63: {  	_ =	shalt  }
0x64: {  	_ =	shalt  }
0x65: {  	_ =	shalt  }
0x66: {  	_ =	shalt  }
0x67: {  	_ =	shalt  }
0x68: {  	_ =	shalt  }
0x69: {  	_ =	shalt  }
0x6a: {  	_ =	shalt  }
0x6b: {  	_ =	shalt  }
0x6c: {  	_ =	shalt  }
0x6d: {  	_ =	shalt  }
0x6e: {  	_ =	shalt  }
0x6f: {  	_ =	shalt  }
0x70: {  	_ =	shalt  }
0x71: {  	_ =	shalt  }
0x72: {  	_ =	shalt  }
0x73: {  	_ =	shalt  }
0x74: {  	_ =	shalt  }
0x75: {  	_ =	shalt  }
0x76: {  	_ =	shalt  }
0x77: {  	_ =	shalt  }
0x78: {  	_ =	shalt  }
0x79: {  	_ =	shalt  }
0x7a: {  	_ =	shalt  }
0x7b: {  	_ =	shalt  }
0x7c: {  	_ =	shalt  }
0x7d: {  	_ =	shalt  }
0x7e: {  	_ =	shalt  }
0x7f: {  	_ =	shalt  }
0x80: {  	_ =	shalt  }
0x81: {  	_ =	shalt  }
0x82: {  	_ =	shalt  }
0x83: {  	_ =	shalt  }
0x84: {  	_ =	shalt  }
0x85: {  	_ =	shalt  }
0x86: {  	_ =	shalt  }
0x87: {  	_ =	shalt  }
.Lfunc_end0:
.L_simem_size_0:
called_computation_lowered:
.L_overlay_start_0:
0x88: {  	s2 =	sld [smem:$0x3FD9]  }
0x89: {  	s3 =	sld [smem:$0x3FFE];
	_ =	sdelay $0x1  }
0x8a: {  	s1 =	srdreg.scid  }
0x8b: {  	s0 =	sand.u32 $0x1, s1  }
0x8c: {  	s17 =	sshll.u32 s0, $0xA;
	s2 =	sadd.s32 s3, s2  }
0x8d: {  	s2 =	sadd.s32 s2, s17  }
0x8e: {  	[smem:$0x3FBA] =	sst s2  }
0x8f: {  	_ = 	snop  }
0x90: {  	s2 =	sld [smem:$0x3FC9];
	(tm) =	ssettm $0x1  }
0x91: {  	s18 =	sld [smem:$0x3FFB];
	_ =	sdelay $0x3  }
0x92: {  	_ =	strace s18  }
0x93: {  	s3 =	sld [smem:$0x3FFC];
	_ =	sdelay $0x3  }
0x94: {  	_ =	strace s3  }
0x95: {  	s3 =	sld [smem:$0x3FFD];
	_ =	sdelay $0x3  }
0x96: {  	_ =	strace s3  }
0x97: {  	_ =	strace $0x8FFFFFFF  }
0x98: {  	s19 =	sld [smem:$0x3FDB];
	_ =	sdelay $0x1  }
0x99: {  	s4 =	simm.s32 $_scs_section_size  }
0x9a: {  	s5 =	simm.s32 $_size__tile_overlayer_lowered;
	s6 =	simm.s32 $_tile_overlayer_lowered  }
0x9b: {  	s22 =	simm.s32 $0x1BFF;
	s21 =	sshll.u32 s6, $0x1;
	s3 =	sadd.s32 s4, s19  }
0x9c: {  	s7 =	simm.s32 $0x0;
	s20 =	sshll.u32 s5, $0x1;
	s5 =	sadd.s32 s21, s3  }
0x9d: {  	[timem:s7], [sflag:s22] =	dma.local [hbm:s5], s20  }
0x9e: {  	_ =	swait.ge [sflag:s22], s20  }
0x9f: {  	s4 =	ssub.s32 $0x0, s20;
	[sflag:s22] =	ssyncset.done $0x0  }
0xa0: {  	[sflag:s22] =	ssyncadd.s32 s4;
	_ =	sdelay $0x1  }
0xa1: {  	s23 =	simm.s32 $0x1B8B  }
0xa2: {  	_ =	swait.ge [sflag:s23], $0x1  }
0xa3: {  	[sflag:s23] =	ssyncset.done $0x0  }
0xa4: {  	s25 =	simm.s32 $0x1B8E;
	s24 =	sld [smem:$0x3FFE];
	[sflag:s23] =	ssyncadd.s32 $0xFFFFFFFF  }
0xa5: {  	s26 =	simm.s32 $execute0_lowered;
	[smem:$0x3FD2] =	sst s25  }
0xa6: {  	s5 =	sshll.u32 s26, $0x1;
	_ =	strace $0x80000046;
	[dreg:$0x1] =	wrdreg $0xFFFFFFFF  }
0xa7: {  	s28 =	simm.s32 $_size_execute0_lowered;
	s3 =	sadd.s32 s3, s5;
	[dreg:$0x0] =	wrdreg $0x0  }
0xa8: {  	s5 =	sshll.u32 s28, $0x1;
	[dreg:$0x2] =	wrdreg s3  }
0xa9: {  	[dreg:$0x3] =	wrdreg s5  }
0xaa: {  	[dreg:$0x4] =	wrdreg $0xC0  }
0xab: {  	_ =	task [dreg:s7], $0x5FFFF  }
0xac: {  	[dreg:$0x1] =	wrdreg $0xFFFFFFFF  }
0xad: {  	[dreg:$0x0] =	wrdreg $0x60  }
0xae: {  	[dreg:$0x2] =	wrdreg s2  }
0xaf: {  	[dreg:$0x3] =	wrdreg s24  }
0xb0: {  	[dreg:$0x4] =	wrdreg $0x9  }
0xb1: {  	_ =	task.clear_ibuf [dreg:s7], $0x5FFFF;
	_ =	strace $0x90000046  }
0xb2: {  	s29 =	simm.s32 $0x9;
	_ =	strace $0x80000048  }
0xb3: {  	_ =	swait.ge [sflag:s29], $0x1  }
0xb4: {  	[sflag:s29] =	ssyncadd.s32 $0xFFFFFFFF  }
0xb5: {  	_ =	strace $0x90000048  }
0xb6: {  	_ =	sfence  }
0xb7: {  	s30 =	sld [smem:$0x0];
	_ =	sdelay $0x2  }
0xb8: {  	s31 =	sshll.u32 s1, $0xD;
	s1 =	sshrl.u32 s1, $0x2  }
0xb9: {  	s3 =	sand.u32 $0x4000, s31;
	s1 =	sadd.s32 s1, s30  }
0xba: {  	s0 =	sor.u32 s3, s0;
	s1 =	sshll.u32 s1, $0x11  }
0xbb: {  	s0 =	sor.u32 s1, s0  }
0xbc: {  	s0 =	sadd.s32 $0x8F2B, s0  }
0xbd: {  	[sflag:s0] =	ssyncadd.remote.s32 $0x1  }
0xbe: {  	_ =	sfence.sel $0xFFFF  }
0xbf: {  	[dreg:$0x0] =	wrdreg $0xFFFFFFFF;
	(pc) =	sbr.abs _section_cstart, $3  }
0xc0: {  	[dreg:$0x1] =	wrdreg $0xFFFFFFFF  }
0xc1: {  	_ =	task.clear_ibuf [dreg:s7], $0x2FFFF;
	_ =	strace $0x9FFFFFFF  }
0xc2: {  	(tm) =	ssettm $0x7FFFFFFF  }
0xc3: {  	_ =	shalt  }
tec
execute0_lowered:
.L_overlay_start_1:
0x0: {  	(tag) =	ssettag $0x1  }
0x1: {  	s1 =	srdreg.scid  }
0x2: {  	s0 =	stileid.u32;
	s2 =	rddreg [dreg:$0x0]  }
0x3: {  	s5 =	rddreg [dreg:$0x1];
	s3 =	simm.s32 $0x0;
	s12 =	simm.s32 $0xF00  }
0x4: {  	s13 =	simm.s32 $0x4F00;
	s14 =	simm.s32 $0x8F00;
	s15 =	simm.s32 $0x1  }
0x5: {  	s16 =	simm.s32 $0x2;
	s17 =	simm.s32 $0x3;
	s18 =	simm.s32 $0xE80  }
0x6: {  	s19 =	simm.s32 $0x0;
	s6 =	sand.u32 $0x1, s1;
	s29 =	sshll.u32 s0, $0x1  }
0x7: {  	s1 =	rddreg [dreg:$0x2];
	s31 =	smul.u32 $0x1E000, s0;
	s4 =	sor.u32 s6, s29  }
0x8: {  	[smem:$0x7FF] =	sst s3;
	s9 =	sadd.s32 $0xA400, s5;
	s7 =	smul.u32 $0xF00, s4  }
0x9: {  	_ =	strace $0x80000047;
	s8 =	ssub.s32 $0x2, s6;
	s10 =	smul.u32 $0xF000, s4  }
0xa: {  	s11 =	smul.u32 $0xF000, s6;
	s30 =	sshrl.u32 s8, $0x1;
	s7 =	sshrl.u32 s7, $0x3  }
0xb: {  	s10 =	sadd.s32 s9, s10;
	s9 =	sadd.s32 s31, s9;
	s7 =	sadd.s32 s7, s5  }
0xc: {  	s5 =	ssub.s32 s8, s30;
	s6 =	sadd.s32 $0xD800, s10;
	s8 =	sadd.s32 $0xE800, s10  }
0xd: {  	s9 =	sadd.s32 s11, s9;
	s11 =	simm.s32 $0x80;
	s4 =	sadd.s32 $0x6800, s7  }
0xe: {  	s5 =	smax.u32 s5, $0x1;
	s7 =	sadd.s32 $0xE000, s10;
	s10 =	simm.s32 $0x4  }
.LBB2_1:
0xf: {  	[tilespmem:s3], [sflag:$0x4] =	stream.linear.gather [hbm4b:s4+s3], $0xF00, $0x38;
	[tilespmem:$0xCF00] =	vst v63  }
0x10: {  	_ =	swait.ge [sflag:s10], $0xF00  }
0x11: {  	[sflag:s10] =	ssyncset.done $0x0  }
0x12: {  	[sflag:s10] =	ssyncadd.s32 $0xFFFFF100  }
0x13: {  	[tilespmem:s12], [sflag:$0x1] =	stream.indirect.gather [hbm4b:s2+s11], $0x80, s3, s11, $0xb8;
	[tilespmem:$0xCF00] =	vst v63  }
0x14: {  	_ = 	snop  }
0x15: {  	[tilespmem:s13], [sflag:$0x2] =	stream.indirect.gather [hbm4b:s2+s11], $0x80, s11, s11, $0xb8;
	[tilespmem:$0xCF00] =	vst v63  }
0x16: {  	s20 =	simm.s32 $0x100  }
0x17: {  	[tilespmem:s14], [sflag:$0x3] =	stream.indirect.gather [hbm4b:s2+s11], $0x80, s20, s11, $0xb8;
	[tilespmem:$0xCF00] =	vst v63  }
0x18: {  	_ =	swait.ge [sflag:s15], $0x4000  }
0x19: {  	[sflag:s15] =	ssyncset.done $0x0  }
0x1a: {  	s21 =	sadd.s32 $0x0, s9;
	[sflag:s15] =	ssyncadd.s32 $0xFFFFC000  }
0x1b: {  	[hbm4b:s21+s3] =	stream.linear.scatter [tilespmem:s12], [sflag:$0x4], $0x4000, $0x38;
	[tilespmem:$0xCF00] =	vst v63  }
0x1c: {  	_ =	swait.ge [sflag:s10], $0x4000  }
0x1d: {  	[sflag:s10] =	ssyncset.done $0x0  }
0x1e: {  	s22 =	simm.s32 $0x180;
	[sflag:s10] =	ssyncadd.s32 $0xFFFFC000  }
0x1f: {  	[tilespmem:s12], [sflag:$0x1] =	stream.indirect.gather [hbm4b:s2+s11], $0x80, s22, s11, $0xb8;
	[tilespmem:$0xCF00] =	vst v63  }
0x20: {  	_ =	swait.ge [sflag:s16], $0x4000  }
0x21: {  	[sflag:s16] =	ssyncset.done $0x0  }
0x22: {  	s30 =	sadd.s32 $0x800, s21;
	[sflag:s16] =	ssyncadd.s32 $0xFFFFC000  }
0x23: {  	[hbm4b:s30+s3] =	stream.linear.scatter [tilespmem:s13], [sflag:$0x4], $0x4000, $0x38;
	[tilespmem:$0xCF00] =	vst v63  }
0x24: {  	_ =	swait.ge [sflag:s10], $0x4000  }
0x25: {  	[sflag:s10] =	ssyncset.done $0x0  }
0x26: {  	s31 =	simm.s32 $0x200;
	[sflag:s10] =	ssyncadd.s32 $0xFFFFC000  }
0x27: {  	[tilespmem:s13], [sflag:$0x2] =	stream.indirect.gather [hbm4b:s2+s11], $0x80, s31, s11, $0xb8;
	[tilespmem:$0xCF00] =	vst v63  }
0x28: {  	_ =	swait.ge [sflag:s17], $0x4000  }
0x29: {  	[sflag:s17] =	ssyncset.done $0x0  }
0x2a: {  	s21 =	sadd.s32 $0x1000, s21;
	[sflag:s17] =	ssyncadd.s32 $0xFFFFC000  }
0x2b: {  	[hbm4b:s21+s3] =	stream.linear.scatter [tilespmem:s14], [sflag:$0x4], $0x4000, $0x38;
	[tilespmem:$0xCF00] =	vst v63  }
0x2c: {  	_ =	swait.ge [sflag:s10], $0x4000  }
0x2d: {  	s21 =	simm.s32 $0x1800;
	[sflag:s10] =	ssyncset.done $0x0  }
.LBB2_2:
0x2e: {  	p0 =	sne.s32 s21, $0xC000;
	[sflag:s10] =	ssyncadd.s32 $0xFFFFC000;
	s20 =	sadd.s32 $0x180, s20  }
0x2f: {  	[tilespmem:s14], [sflag:$0x3] =	stream.indirect.gather [hbm4b:s2+s11], $0x80, s20, s11, $0xb8;
	[tilespmem:$0xCF00] =	vst v63  }
0x30: {  	s22 =	smov.u32 s21;
	s21 =	sadd.s32 $0x1800, s21;
	_ =	swait.ge [sflag:s15], $0x4000  }
0x31: {  	[sflag:s15] =	ssyncset.done $0x0  }
0x32: {  	s22 =	sadd.s32 s22, s9;
	[sflag:s15] =	ssyncadd.s32 $0xFFFFC000  }
0x33: {  	[hbm4b:s22+s3] =	stream.linear.scatter [tilespmem:s12], [sflag:$0x4], $0x4000, $0x38;
	[tilespmem:$0xCF00] =	vst v63  }
0x34: {  	_ =	swait.ge [sflag:s10], $0x4000  }
0x35: {  	[sflag:s10] =	ssyncset.done $0x0  }
0x36: {  	s23 =	sadd.s32 $0x80, s20;
	[sflag:s10] =	ssyncadd.s32 $0xFFFFC000  }
0x37: {  	[tilespmem:s12], [sflag:$0x1] =	stream.indirect.gather [hbm4b:s2+s11], $0x80, s23, s11, $0xb8;
	[tilespmem:$0xCF00] =	vst v63  }
0x38: {  	_ =	swait.ge [sflag:s16], $0x4000  }
0x39: {  	[sflag:s16] =	ssyncset.done $0x0  }
0x3a: {  	s23 =	sadd.s32 $0x800, s22;
	[sflag:s16] =	ssyncadd.s32 $0xFFFFC000  }
0x3b: {  	[hbm4b:s23+s3] =	stream.linear.scatter [tilespmem:s13], [sflag:$0x4], $0x4000, $0x38;
	[tilespmem:$0xCF00] =	vst v63  }
0x3c: {  	_ =	swait.ge [sflag:s10], $0x4000  }
0x3d: {  	[sflag:s10] =	ssyncset.done $0x0  }
0x3e: {  	s23 =	sadd.s32 $0x100, s20;
	[sflag:s10] =	ssyncadd.s32 $0xFFFFC000  }
0x3f: {  	[tilespmem:s13], [sflag:$0x2] =	stream.indirect.gather [hbm4b:s2+s11], $0x80, s23, s11, $0xb8;
	[tilespmem:$0xCF00] =	vst v63  }
0x40: {  	_ =	swait.ge [sflag:s17], $0x4000  }
.Ltmp0:
0x41: {  	[sflag:s17] =	ssyncset.done $0x0;
	(pc) =	sbr.rel @p0 .LBB2_2-.Ltmp0, $4  }
0x42: {  	s22 =	sadd.s32 $0x1000, s22;
	[sflag:s17] =	ssyncadd.s32 $0xFFFFC000  }
0x43: {  	[hbm4b:s22+s3] =	stream.linear.scatter [tilespmem:s14], [sflag:$0x4], $0x4000, $0x38;
	[tilespmem:$0xCF00] =	vst v63  }
0x44: {  	_ =	swait.ge [sflag:s10], $0x4000  }
0x45: {  	[sflag:s10] =	ssyncset.done $0x0  }
0x46: {  	[sflag:s10] =	ssyncadd.s32 $0xFFFFC000  }
0x47: {  	[tilespmem:s14], [sflag:$0x3] =	stream.indirect.gather [hbm4b:s2+s11], $0x80, s18, s11, $0xb8;
	[tilespmem:$0xCF00] =	vst v63  }
0x48: {  	_ =	swait.ge [sflag:s15], $0x4000  }
0x49: {  	[sflag:s15] =	ssyncset.done $0x0  }
0x4a: {  	[sflag:s15] =	ssyncadd.s32 $0xFFFFC000  }
0x4b: {  	[hbm4b:s6+s3] =	stream.linear.scatter [tilespmem:s12], [sflag:$0x4], $0x4000, $0x38;
	[tilespmem:$0xCF00] =	vst v63  }
0x4c: {  	_ =	swait.ge [sflag:s10], $0x4000  }
0x4d: {  	[sflag:s10] =	ssyncset.done $0x0  }
0x4e: {  	[sflag:s10] =	ssyncadd.s32 $0xFFFFC000  }
0x4f: {  	_ =	swait.ge [sflag:s16], $0x4000  }
0x50: {  	[sflag:s16] =	ssyncset.done $0x0  }
0x51: {  	[sflag:s16] =	ssyncadd.s32 $0xFFFFC000  }
0x52: {  	[hbm4b:s7+s3] =	stream.linear.scatter [tilespmem:s13], [sflag:$0x4], $0x4000, $0x38;
	[tilespmem:$0xCF00] =	vst v63  }
0x53: {  	_ =	swait.ge [sflag:s10], $0x4000  }
0x54: {  	[sflag:s10] =	ssyncset.done $0x0  }
0x55: {  	[sflag:s10] =	ssyncadd.s32 $0xFFFFC000  }
0x56: {  	s19 =	sadd.s32 $0x1, s19;
	_ =	swait.ge [sflag:s17], $0x4000  }
0x57: {  	p0 =	sne.s32 s19, s5;
	[sflag:s17] =	ssyncset.done $0x0  }
.Ltmp1:
0x58: {  	[sflag:s17] =	ssyncadd.s32 $0xFFFFC000;
	(pc) =	sbr.rel @p0 .LBB2_1-.Ltmp1, $4  }
0x59: {  	[hbm4b:s8+s3] =	stream.linear.scatter [tilespmem:s14], [sflag:$0x4], $0x4000, $0x38;
	[tilespmem:$0xCF00] =	vst v63  }
0x5a: {  	_ =	swait.ge [sflag:s10], $0x4000  }
0x5b: {  	[sflag:s10] =	ssyncset.done $0x0  }
0x5c: {  	[sflag:s10] =	ssyncadd.s32 $0xFFFFC000  }
0x5d: {  	_ =	sfence.sel $0x180000  }
0x5e: {  	[bflag:$0x0] =	sbarrier.arrive $0xFFFF  }
0x5f: {  	p0 =	sne.s32 s0, $0x0;
	_ =	strace $0x90000047  }
0x60: {  	s0 =	sadd.s32 @!p0 $0x100000, s1;
	[bflag:$0x2] =	sbarrier.arrive $0xFFFF  }
0x61: {  	[sflag:s0] =	ssyncadd.tile.s32 @!p0 $0x1;
	_ =	shalt  }
.Lfunc_end2:
_tile_overlayer_lowered:
.L_overlay_start_2:
0x62: {  	(tag) =	ssettag $0x2  }
0x63: {  	s0 =	rddreg [dreg:$0x0];
	s2 =	stileid.u32  }
0x64: {  	s1 =	rddreg [dreg:$0x1];
	p0 =	sne.s32 s2, $0x0  }
0x65: {  	s3 =	rddreg [dreg:$0x2];
	[bflag:$0x3] =	sbarrier.arrive $0xFFFF;
	s2 =	simm.s32 @!p0 $0x1C04  }
0x66: {  	[timem:s3], [sflag:s2] =	dma.local @!p0 [hbm:s0], s1  }
0x67: {  	s0 =	simm.s32 @!p0 $0x4  }
0x68: {  	_ =	swait.ge @!p0 [sflag:s0], s1  }
0x69: {  	s1 =	ssub.s32 @!p0 $0x0, s1;
	[sflag:s0] =	ssyncset.done @!p0 $0x0  }
0x6a: {  	[sflag:s0] =	ssyncadd.s32 @!p0 s1  }
0x6b: {  	[bflag:$0x3] =	sbarrier.arrive $0xFFFF  }
0x6c: {  	_ =	shalt  }

</sc_bundles>
